<compile_context>
chip_gen: v7x
topology: tpu7x:2x2x1
jax: 0.10.2.dev20260603
libtpu: 0.0.44.dev20260713+nightly
codegen_flags: <defaults>
</compile_context>

<pallas_src>
import functools

import jax
import jax.numpy as jnp
from jax import lax
from jax.experimental import pallas as pl
from jax.experimental.pallas import tpu as pltpu
from jax.experimental.pallas import tpu_sc as plsc

B = 64
V = 100000
L = 16
NB = 1024
RANGE = 16.0
INV_DELTA = NB / RANGE
DELTA = RANGE / NB
TOP_P = 0.95
NW = 32
ROWS_PER_W = B // NW
VECS = V // L
HALF = V // 2
HVECS = HALF // L


def _lane_reduce(vec, op):
    idx = lax.iota(jnp.int32, L)
    for sh in (8, 4, 2, 1):
        perm = jnp.bitwise_xor(idx, sh)
        vec = op(vec, vec.at[perm].get(mode="promise_in_bounds"))
    return vec


def _sc_kernel(logits_hbm, conf_hbm, idx_hbm, row_v, hc_v, me_v, si_v, cf_v):
    wid = lax.axis_index("s") * 2 + lax.axis_index("c")
    iota = lax.iota(jnp.int32, L)
    iota_nb = iota * NB
    fiota = iota.astype(jnp.float32)
    zeros = jnp.zeros((L,), jnp.float32)
    ones = jnp.ones((L,), jnp.float32)

    for rr in range(ROWS_PER_W):
        r = wid * ROWS_PER_W + rr
        pltpu.sync_copy(logits_hbm.at[r], row_v)

        @plsc.parallel_loop(0, NB, unroll=8)
        def _(j):
            hc_v[pl.ds(j * L, L)] = zeros

        acc_v0 = jnp.full((L,), -jnp.inf, jnp.float32)
        acc_i0 = jnp.zeros((L,), jnp.int32)

        @plsc.parallel_loop(0, VECS, unroll=8, carry=(acc_v0, acc_i0))
        def max_loop(i, carry):
            acc_v, acc_i = carry
            x = row_v[pl.ds(i * L, L)]
            gi = iota + i * L
            upd = x > acc_v
            acc_i = jnp.where(upd, gi, acc_i)
            acc_v = jnp.where(upd, x, acc_v)
            return acc_v, acc_i

        acc_v, acc_i = max_loop
        mv = _lane_reduce(acc_v, jnp.maximum)
        cand = jnp.where(acc_v == mv, acc_i, jnp.int32(2**31 - 1))
        gvec = _lane_reduce(cand, jnp.minimum)

        @plsc.parallel_loop(0, VECS, unroll=8)
        def _(i):
            x = row_v[pl.ds(i * L, L)]
            f = jnp.minimum((mv - x) * INV_DELTA, float(NB - 1))
            flat = f.astype(jnp.int32) + iota_nb
            plsc.addupdate_scatter(hc_v, [flat], ones)

        cvec0 = (fiota + 0.5) * (-DELTA)

        @plsc.parallel_loop(0, NB // L, unroll=2, carry=(zeros, cvec0))
        def mass_loop(j, carry):
            zacc, cvec = carry
            s = hc_v[pl.ds(j * L, L)]
            for l in range(1, L):
                s = s + hc_v[pl.ds(l * NB + j * L, L)]
            e = s * jnp.exp(cvec)
            me_v[pl.ds(j * L, L)] = e
            return zacc + e, cvec - (DELTA * L)

        z = _lane_reduce(mass_loop[0], jnp.add)
        tau = TOP_P * z

        lane15 = jnp.full((L,), L - 1, jnp.int32)

        @plsc.parallel_loop(0, NB // L, carry=(zeros, zeros, zeros, cvec0))
        def scan_loop(j, carry):
            cum, s_acc, t_acc, cvec = carry
            e = me_v[pl.ds(j * L, L)]
            incl = plsc.cumsum(e)
            pre = (incl - e) + cum
            ek = jnp.where(pre <= tau, e, 0.0)
            tot = incl.at[lane15].get(mode="promise_in_bounds")
            return (cum + tot, s_acc + ek, t_acc + ek * cvec,
                    cvec - (DELTA * L))

        _, s_part, t_part, _ = scan_loop
        s_tot = _lane_reduce(s_part, jnp.add)
        t_tot = _lane_reduce(t_part, jnp.add)

        bits = plsc.bitcast(s_tot, jnp.uint32)
        ex = plsc.bitcast(bits >> jnp.uint32(23), jnp.int32) - 127
        man = plsc.bitcast((bits & jnp.uint32(0x7FFFFF))
                           | jnp.uint32(0x3F800000), jnp.float32)
        y = ex.astype(jnp.float32) * jnp.float32(0.6931472) \
            + (man - 1.0) * jnp.float32(0.6931472)
        for _ in range(3):
            y = y + s_tot * jnp.exp(-y) - 1.0

        cf_v[...] = t_tot / s_tot - y
        pltpu.sync_copy(cf_v, conf_hbm.at[r])
        si_v[...] = gvec
        pltpu.sync_copy(si_v, idx_hbm.at[r])


_sc_call = functools.partial(
    pl.kernel,
    out_type=[
        jax.ShapeDtypeStruct((B, L), jnp.float32),
        jax.ShapeDtypeStruct((B, L), jnp.int32),
    ],
    mesh=plsc.VectorSubcoreMesh(core_axis_name="c", subcore_axis_name="s"),
    compiler_params=pltpu.CompilerParams(needs_layout_passes=False),
    scratch_types=[
        pltpu.VMEM((V,), jnp.float32),
        pltpu.VMEM((L * NB,), jnp.float32),
        pltpu.VMEM((NB,), jnp.float32),
        pltpu.VMEM((L,), jnp.int32),
        pltpu.VMEM((L,), jnp.float32),
    ],
)(_sc_kernel)


def kernel(logits):
    assert logits.shape == (B, V) and logits.dtype == jnp.float32
    conf2, idx = _sc_call(logits)
    return conf2[:, 0], idx[:, 0]

# --- scband reference (transcript-rebuilt; emitter-appended) ---
"""Pipeline reference for scband-vision-dream-model-29970281792201 (READ-ONLY COPY).

The authoritative reference and input builder live on the scoring server;
editing this copy changes nothing except your own understanding.
"""

import jax, jax.numpy as jnp
import numpy as np

TOP_P = 0.95

def setup_inputs(seed: int = 0) -> dict:
    key = jax.random.key(seed)
    logits = jax.random.normal(key, (64, 100000), dtype=jnp.float32) * 2.0
    return {"logits": logits}

def reference(logits):
    # Faithful JAX translation of _sample_tokens with temperature=0.0,
    # top_p=0.95, top_k=None, neg_entropy=True (alg='entropy' path used by
    # VisionDreamModel's diffusion generation loop).
    B, V = logits.shape
    # temperature == 0 -> no scaling, greedy argmax sampling
    # --- top-p (nucleus) filtering ---
    order = jnp.argsort(-logits, axis=-1)  # descending sort indices
    sorted_l = jnp.take_along_axis(logits, order, axis=-1)
    probs_sorted = jax.nn.softmax(sorted_l, axis=-1)
    cum = jnp.cumsum(probs_sorted, axis=-1)
    remove_sorted = cum > TOP_P
    # shift right so the first token above threshold is kept
    remove_sorted = jnp.concatenate(
        [jnp.zeros_like(remove_sorted[..., :1]), remove_sorted[..., :-1]], axis=-1
    )
    rows = jnp.arange(B)[:, None]
    # scatter remove flags back to original vocab order
    mask = jnp.zeros((B, V), dtype=bool).at[rows, order].set(remove_sorted)
    neg_inf = jnp.finfo(logits.dtype).min
    filtered = jnp.where(mask, neg_inf, logits)
    # --- greedy sample (temperature == 0) ---
    probs = jax.nn.softmax(filtered, axis=-1)
    x0 = jnp.argmax(probs, axis=-1)
    # --- neg-entropy confidence (alg='entropy') ---
    log_p = jnp.log(probs + 1e-10)
    conf = jnp.sum(probs * log_p, axis=-1)
    return conf, x0

if __name__ == "__main__":
    import jax
    _d = setup_inputs()
    print(jax.jit(kernel)(*tuple(_d.values())))

</pallas_src>

<mosaic_0001>
#map = affine_map<(d0, d1) -> (0, 0)>
module attributes {stable_mosaic.version = 14 : i64} {
  func.func @_sc_kernel(%arg0: i32, %arg1: i32, %arg2: memref<64x100000xf32, #tpu.memory_space<hbm>>, %arg3: memref<64x16xf32, #tpu.memory_space<hbm>>, %arg4: memref<64x16xi32, #tpu.memory_space<hbm>>, %arg5: memref<100000xf32, #tpu.memory_space<vmem>>, %arg6: memref<16384xf32, #tpu.memory_space<vmem>>, %arg7: memref<1024xf32, #tpu.memory_space<vmem>>, %arg8: memref<16xi32, #tpu.memory_space<vmem>>, %arg9: memref<16xf32, #tpu.memory_space<vmem>>) attributes {dimension_semantics = [#tpu.dimension_semantics<core_parallel>, #tpu.dimension_semantics<subcore_parallel>], iteration_bounds = array<i64: 2, 16>, scalar_prefetch = 0 : i64, scratch_operands = 5 : i64, tpu.core_type = #tpu.core_type<sc_vector_subcore>, window_params = [{transform_indices = #map}, {transform_indices = #map}, {transform_indices = #map}]} {
    %mul3A = arith.constant 2 : i32
    %mul3A_0 = arith.muli %arg1, %mul3A : i32
    %add3A = arith.addi %mul3A_0, %arg0 : i32
    %iota3A = tpu.iota {dimensions = array<i32: 0>} : vector<16xi32>
    %mul3A_1 = arith.constant 1024 : i32
    %mul3A_2 = vector.broadcast %mul3A_1 : i32 to vector<16xi32>
    %mul3A_3 = arith.muli %iota3A, %mul3A_2 : vector<16xi32>
    %convert_element_type3A = arith.sitofp %iota3A : vector<16xi32> to vector<16xf32>
    %broadcast_in_dim3A = arith.constant 0.000000e+00 : f32
    %broadcast_in_dim3A_4 = vector.broadcast %broadcast_in_dim3A : f32 to vector<16xf32>
    %broadcast_in_dim3A_5 = arith.constant 1.000000e+00 : f32
    %broadcast_in_dim3A_6 = vector.broadcast %broadcast_in_dim3A_5 : f32 to vector<16xf32>
    %mul3A_7 = arith.constant 2 : i32
    %mul3A_8 = arith.muli %add3A, %mul3A_7 : i32
    %add3A_9 = arith.constant 0 : i32
    %add3A_10 = arith.addi %mul3A_8, %add3A_9 : i32
    "tpu.region"() ({
      %run_scoped3A = tpu.sem_alloc : memref<!tpu.dma_semaphore, #tpu.memory_space<semaphore_mem>>
      %dma_start3A = arith.constant 0 : i32
      %dma_start3A_759 = tpu.memref_slice %arg2[%add3A_10, %dma_start3A] : memref<64x100000xf32, #tpu.memory_space<hbm>> -> memref<1x100000xf32, #tpu.memory_space<hbm>>
      %dma_start3A_760 = tpu.memref_squeeze %dma_start3A_759 : memref<1x100000xf32, #tpu.memory_space<hbm>> -> memref<100000xf32, #tpu.memory_space<hbm>>
      %dma_start3A_761 = arith.constant 0 : i32
      %dma_start3A_762 = tpu.memref_slice %arg2[%add3A_10, %dma_start3A_761] : memref<64x100000xf32, #tpu.memory_space<hbm>> -> memref<1x100000xf32, #tpu.memory_space<hbm>>
      %dma_start3A_763 = tpu.memref_squeeze %dma_start3A_762 : memref<1x100000xf32, #tpu.memory_space<hbm>> -> memref<100000xf32, #tpu.memory_space<hbm>>
      tpu.enqueue_dma source(%dma_start3A_763 : memref<100000xf32, #tpu.memory_space<hbm>>) target(%arg5 : memref<100000xf32, #tpu.memory_space<vmem>>) target_semaphore(%run_scoped3A : memref<!tpu.dma_semaphore, #tpu.memory_space<semaphore_mem>>)
      %dma_wait3A = arith.constant 0 : i32
      %dma_wait3A_764 = tpu.memref_slice %arg2[%add3A_10, %dma_wait3A] : memref<64x100000xf32, #tpu.memory_space<hbm>> -> memref<1x100000xf32, #tpu.memory_space<hbm>>
      %dma_wait3A_765 = tpu.memref_squeeze %dma_wait3A_764 : memref<1x100000xf32, #tpu.memory_space<hbm>> -> memref<100000xf32, #tpu.memory_space<hbm>>
      %dma_wait3A_766 = arith.constant 0 : i32
      %dma_wait3A_767 = tpu.memref_slice %arg2[%add3A_10, %dma_wait3A_766] : memref<64x100000xf32, #tpu.memory_space<hbm>> -> memref<1x100000xf32, #tpu.memory_space<hbm>>
      %dma_wait3A_768 = tpu.memref_squeeze %dma_wait3A_767 : memref<1x100000xf32, #tpu.memory_space<hbm>> -> memref<100000xf32, #tpu.memory_space<hbm>>
      tpu.wait_dma2 semaphore(%run_scoped3A : memref<!tpu.dma_semaphore, #tpu.memory_space<semaphore_mem>>) src(%dma_wait3A_768 : memref<100000xf32, #tpu.memory_space<hbm>>) dst(%arg5 : memref<100000xf32, #tpu.memory_space<vmem>>)
      tpu.yield
    }) : () -> ()
    %parallel_loop3A = arith.constant 0 : i32
    %parallel_loop3A_11 = arith.constant 1024 : i32
    %parallel_loop3A_12 = arith.constant 1 : i32
    scf.for %parallel_loop3A_759 = %parallel_loop3A to %parallel_loop3A_11 step %parallel_loop3A_12  : i32 {
      %parallel_loop3A_760 = arith.constant 16 : i32
      %parallel_loop3A_761 = arith.muli %parallel_loop3A_759, %parallel_loop3A_760 : i32
      %parallel_loop3A_762 = arith.index_cast %parallel_loop3A_761 : i32 to index
      %parallel_loop3A_763 = tpu.vector_load %arg6[%parallel_loop3A_762] {strides = array<i32>} : memref<16384xf32, #tpu.memory_space<vmem>>, vector<16xf32>,
      tpu.vector_store %arg6[%parallel_loop3A_762], %broadcast_in_dim3A_4 {strides = array<i32>} : memref<16384xf32, #tpu.memory_space<vmem>>, vector<16xf32>,
    } {sc.loop_unroll_factor = 8 : i64, sc.parallel_access}
    %broadcast_in_dim3A_13 = arith.constant 0xFF800000 : f32
    %broadcast_in_dim3A_14 = vector.broadcast %broadcast_in_dim3A_13 : f32 to vector<16xf32>
    %broadcast_in_dim3A_15 = arith.constant 0 : i32
    %broadcast_in_dim3A_16 = vector.broadcast %broadcast_in_dim3A_15 : i32 to vector<16xi32>
    %parallel_loop3A_17 = arith.constant 0 : i32
    %parallel_loop3A_18 = arith.constant 6250 : i32
    %parallel_loop3A_19 = arith.constant 1 : i32
    %parallel_loop3A_20:2 = scf.for %parallel_loop3A_759 = %parallel_loop3A_17 to %parallel_loop3A_18 step %parallel_loop3A_19 iter_args(%parallel_loop3A_760 = %broadcast_in_dim3A_14, %parallel_loop3A_761 = %broadcast_in_dim3A_16) -> (vector<16xf32>, vector<16xi32>)  : i32 {
      %parallel_loop3A_762 = arith.constant 16 : i32
      %parallel_loop3A_763 = arith.muli %parallel_loop3A_759, %parallel_loop3A_762 : i32
      %parallel_loop3A_764 = arith.index_cast %parallel_loop3A_763 : i32 to index
      %parallel_loop3A_765 = tpu.vector_load %arg5[%parallel_loop3A_764] {strides = array<i32>} : memref<100000xf32, #tpu.memory_space<vmem>>, vector<16xf32>,
      %parallel_loop3A_766 = arith.constant 16 : i32
      %parallel_loop3A_767 = arith.muli %parallel_loop3A_759, %parallel_loop3A_766 : i32
      %parallel_loop3A_768 = vector.broadcast %parallel_loop3A_767 : i32 to vector<16xi32>
      %parallel_loop3A_769 = arith.addi %iota3A, %parallel_loop3A_768 : vector<16xi32>
      %parallel_loop3A_770 = arith.cmpf ogt, %parallel_loop3A_765, %parallel_loop3A_760 : vector<16xf32>
      %parallel_loop3A_771 = arith.select %parallel_loop3A_770, %parallel_loop3A_769, %parallel_loop3A_761 : vector<16xi1>, vector<16xi32>
      %parallel_loop3A_772 = arith.select %parallel_loop3A_770, %parallel_loop3A_765, %parallel_loop3A_760 : vector<16xi1>, vector<16xf32>
      scf.yield %parallel_loop3A_772, %parallel_loop3A_771 : vector<16xf32>, vector<16xi32>
    } {sc.loop_unroll_factor = 8 : i64, sc.parallel_access}
    %iota3A_21 = tpu.iota {dimensions = array<i32: 0>} : vector<16xi32>
    %xor3A = arith.constant 8 : i32
    %xor3A_22 = vector.broadcast %xor3A : i32 to vector<16xi32>
    %xor3A_23 = arith.xori %iota3A_21, %xor3A_22 : vector<16xi32>
    %lt3A = arith.constant 0 : i32
    %lt3A_24 = vector.broadcast %lt3A : i32 to vector<16xi32>
    %lt3A_25 = arith.cmpi slt, %xor3A_23, %lt3A_24 : vector<16xi32>
    %add3A_26 = arith.constant 16 : i32
    %add3A_27 = vector.broadcast %add3A_26 : i32 to vector<16xi32>
    %add3A_28 = arith.addi %xor3A_23, %add3A_27 : vector<16xi32>
    %select_n3A = arith.select %lt3A_25, %add3A_28, %xor3A_23 : vector<16xi1>, vector<16xi32>
    %broadcast_in_dim3A_29 = vector.shape_cast %select_n3A : vector<16xi32> to vector<16x1xi32>
    %gather3A = vector.shape_cast %broadcast_in_dim3A_29 : vector<16x1xi32> to vector<16xi32>
    %gather3A_30 = tpu.dynamic_gather %parallel_loop3A_20#0[%gather3A] in [0] : vector<16xf32>, vector<16xi32> -> vector<16xf32>
    %max3A = arith.maximumf %parallel_loop3A_20#0, %gather3A_30 : vector<16xf32>
    %xor3A_31 = arith.constant 4 : i32
    %xor3A_32 = vector.broadcast %xor3A_31 : i32 to vector<16xi32>
    %xor3A_33 = arith.xori %iota3A_21, %xor3A_32 : vector<16xi32>
    %lt3A_34 = arith.constant 0 : i32
    %lt3A_35 = vector.broadcast %lt3A_34 : i32 to vector<16xi32>
    %lt3A_36 = arith.cmpi slt, %xor3A_33, %lt3A_35 : vector<16xi32>
    %add3A_37 = arith.constant 16 : i32
    %add3A_38 = vector.broadcast %add3A_37 : i32 to vector<16xi32>
    %add3A_39 = arith.addi %xor3A_33, %add3A_38 : vector<16xi32>
    %select_n3A_40 = arith.select %lt3A_36, %add3A_39, %xor3A_33 : vector<16xi1>, vector<16xi32>
    %broadcast_in_dim3A_41 = vector.shape_cast %select_n3A_40 : vector<16xi32> to vector<16x1xi32>
    %gather3A_42 = vector.shape_cast %broadcast_in_dim3A_41 : vector<16x1xi32> to vector<16xi32>
    %gather3A_43 = tpu.dynamic_gather %max3A[%gather3A_42] in [0] : vector<16xf32>, vector<16xi32> -> vector<16xf32>
    %max3A_44 = arith.maximumf %max3A, %gather3A_43 : vector<16xf32>
    %xor3A_45 = arith.constant 2 : i32
    %xor3A_46 = vector.broadcast %xor3A_45 : i32 to vector<16xi32>
    %xor3A_47 = arith.xori %iota3A_21, %xor3A_46 : vector<16xi32>
    %lt3A_48 = arith.constant 0 : i32
    %lt3A_49 = vector.broadcast %lt3A_48 : i32 to vector<16xi32>
    %lt3A_50 = arith.cmpi slt, %xor3A_47, %lt3A_49 : vector<16xi32>
    %add3A_51 = arith.constant 16 : i32
    %add3A_52 = vector.broadcast %add3A_51 : i32 to vector<16xi32>
    %add3A_53 = arith.addi %xor3A_47, %add3A_52 : vector<16xi32>
    %select_n3A_54 = arith.select %lt3A_50, %add3A_53, %xor3A_47 : vector<16xi1>, vector<16xi32>
    %broadcast_in_dim3A_55 = vector.shape_cast %select_n3A_54 : vector<16xi32> to vector<16x1xi32>
    %gather3A_56 = vector.shape_cast %broadcast_in_dim3A_55 : vector<16x1xi32> to vector<16xi32>
    %gather3A_57 = tpu.dynamic_gather %max3A_44[%gather3A_56] in [0] : vector<16xf32>, vector<16xi32> -> vector<16xf32>
    %max3A_58 = arith.maximumf %max3A_44, %gather3A_57 : vector<16xf32>
    %xor3A_59 = arith.constant 1 : i32
    %xor3A_60 = vector.broadcast %xor3A_59 : i32 to vector<16xi32>
    %xor3A_61 = arith.xori %iota3A_21, %xor3A_60 : vector<16xi32>
    %lt3A_62 = arith.constant 0 : i32
    %lt3A_63 = vector.broadcast %lt3A_62 : i32 to vector<16xi32>
    %lt3A_64 = arith.cmpi slt, %xor3A_61, %lt3A_63 : vector<16xi32>
    %add3A_65 = arith.constant 16 : i32
    %add3A_66 = vector.broadcast %add3A_65 : i32 to vector<16xi32>
    %add3A_67 = arith.addi %xor3A_61, %add3A_66 : vector<16xi32>
    %select_n3A_68 = arith.select %lt3A_64, %add3A_67, %xor3A_61 : vector<16xi1>, vector<16xi32>
    %broadcast_in_dim3A_69 = vector.shape_cast %select_n3A_68 : vector<16xi32> to vector<16x1xi32>
    %gather3A_70 = vector.shape_cast %broadcast_in_dim3A_69 : vector<16x1xi32> to vector<16xi32>
    %gather3A_71 = tpu.dynamic_gather %max3A_58[%gather3A_70] in [0] : vector<16xf32>, vector<16xi32> -> vector<16xf32>
    %max3A_72 = arith.maximumf %max3A_58, %gather3A_71 : vector<16xf32>
    %eq3A = arith.cmpf oeq, %parallel_loop3A_20#0, %max3A_72 : vector<16xf32>
    %jit3A = arith.constant 2147483647 : i32
    %broadcast_in_dim3A_73 = vector.broadcast %jit3A : i32 to vector<16xi32>
    %select_n3A_74 = arith.select %eq3A, %parallel_loop3A_20#1, %broadcast_in_dim3A_73 : vector<16xi1>, vector<16xi32>
    %iota3A_75 = tpu.iota {dimensions = array<i32: 0>} : vector<16xi32>
    %xor3A_76 = arith.constant 8 : i32
    %xor3A_77 = vector.broadcast %xor3A_76 : i32 to vector<16xi32>
    %xor3A_78 = arith.xori %iota3A_75, %xor3A_77 : vector<16xi32>
    %lt3A_79 = arith.constant 0 : i32
    %lt3A_80 = vector.broadcast %lt3A_79 : i32 to vector<16xi32>
    %lt3A_81 = arith.cmpi slt, %xor3A_78, %lt3A_80 : vector<16xi32>
    %add3A_82 = arith.constant 16 : i32
    %add3A_83 = vector.broadcast %add3A_82 : i32 to vector<16xi32>
    %add3A_84 = arith.addi %xor3A_78, %add3A_83 : vector<16xi32>
    %select_n3A_85 = arith.select %lt3A_81, %add3A_84, %xor3A_78 : vector<16xi1>, vector<16xi32>
    %broadcast_in_dim3A_86 = vector.shape_cast %select_n3A_85 : vector<16xi32> to vector<16x1xi32>
    %gather3A_87 = vector.shape_cast %broadcast_in_dim3A_86 : vector<16x1xi32> to vector<16xi32>
    %gather3A_88 = tpu.dynamic_gather %select_n3A_74[%gather3A_87] in [0] : vector<16xi32>, vector<16xi32> -> vector<16xi32>
    %min3A = arith.minsi %select_n3A_74, %gather3A_88 : vector<16xi32>
    %xor3A_89 = arith.constant 4 : i32
    %xor3A_90 = vector.broadcast %xor3A_89 : i32 to vector<16xi32>
    %xor3A_91 = arith.xori %iota3A_75, %xor3A_90 : vector<16xi32>
    %lt3A_92 = arith.constant 0 : i32
    %lt3A_93 = vector.broadcast %lt3A_92 : i32 to vector<16xi32>
    %lt3A_94 = arith.cmpi slt, %xor3A_91, %lt3A_93 : vector<16xi32>
    %add3A_95 = arith.constant 16 : i32
    %add3A_96 = vector.broadcast %add3A_95 : i32 to vector<16xi32>
    %add3A_97 = arith.addi %xor3A_91, %add3A_96 : vector<16xi32>
    %select_n3A_98 = arith.select %lt3A_94, %add3A_97, %xor3A_91 : vector<16xi1>, vector<16xi32>
    %broadcast_in_dim3A_99 = vector.shape_cast %select_n3A_98 : vector<16xi32> to vector<16x1xi32>
    %gather3A_100 = vector.shape_cast %broadcast_in_dim3A_99 : vector<16x1xi32> to vector<16xi32>
    %gather3A_101 = tpu.dynamic_gather %min3A[%gather3A_100] in [0] : vector<16xi32>, vector<16xi32> -> vector<16xi32>
    %min3A_102 = arith.minsi %min3A, %gather3A_101 : vector<16xi32>
    %xor3A_103 = arith.constant 2 : i32
    %xor3A_104 = vector.broadcast %xor3A_103 : i32 to vector<16xi32>
    %xor3A_105 = arith.xori %iota3A_75, %xor3A_104 : vector<16xi32>
    %lt3A_106 = arith.constant 0 : i32
    %lt3A_107 = vector.broadcast %lt3A_106 : i32 to vector<16xi32>
    %lt3A_108 = arith.cmpi slt, %xor3A_105, %lt3A_107 : vector<16xi32>
    %add3A_109 = arith.constant 16 : i32
    %add3A_110 = vector.broadcast %add3A_109 : i32 to vector<16xi32>
    %add3A_111 = arith.addi %xor3A_105, %add3A_110 : vector<16xi32>
    %select_n3A_112 = arith.select %lt3A_108, %add3A_111, %xor3A_105 : vector<16xi1>, vector<16xi32>
    %broadcast_in_dim3A_113 = vector.shape_cast %select_n3A_112 : vector<16xi32> to vector<16x1xi32>
    %gather3A_114 = vector.shape_cast %broadcast_in_dim3A_113 : vector<16x1xi32> to vector<16xi32>
    %gather3A_115 = tpu.dynamic_gather %min3A_102[%gather3A_114] in [0] : vector<16xi32>, vector<16xi32> -> vector<16xi32>
    %min3A_116 = arith.minsi %min3A_102, %gather3A_115 : vector<16xi32>
    %xor3A_117 = arith.constant 1 : i32
    %xor3A_118 = vector.broadcast %xor3A_117 : i32 to vector<16xi32>
    %xor3A_119 = arith.xori %iota3A_75, %xor3A_118 : vector<16xi32>
    %lt3A_120 = arith.constant 0 : i32
    %lt3A_121 = vector.broadcast %lt3A_120 : i32 to vector<16xi32>
    %lt3A_122 = arith.cmpi slt, %xor3A_119, %lt3A_121 : vector<16xi32>
    %add3A_123 = arith.constant 16 : i32
    %add3A_124 = vector.broadcast %add3A_123 : i32 to vector<16xi32>
    %add3A_125 = arith.addi %xor3A_119, %add3A_124 : vector<16xi32>
    %select_n3A_126 = arith.select %lt3A_122, %add3A_125, %xor3A_119 : vector<16xi1>, vector<16xi32>
    %broadcast_in_dim3A_127 = vector.shape_cast %select_n3A_126 : vector<16xi32> to vector<16x1xi32>
    %gather3A_128 = vector.shape_cast %broadcast_in_dim3A_127 : vector<16x1xi32> to vector<16xi32>
    %gather3A_129 = tpu.dynamic_gather %min3A_116[%gather3A_128] in [0] : vector<16xi32>, vector<16xi32> -> vector<16xi32>
    %min3A_130 = arith.minsi %min3A_116, %gather3A_129 : vector<16xi32>
    %parallel_loop3A_131 = arith.constant 0 : i32
    %parallel_loop3A_132 = arith.constant 6250 : i32
    %parallel_loop3A_133 = arith.constant 1 : i32
    scf.for %parallel_loop3A_759 = %parallel_loop3A_131 to %parallel_loop3A_132 step %parallel_loop3A_133  : i32 {
      %parallel_loop3A_760 = arith.constant 16 : i32
      %parallel_loop3A_761 = arith.muli %parallel_loop3A_759, %parallel_loop3A_760 : i32
      %parallel_loop3A_762 = arith.index_cast %parallel_loop3A_761 : i32 to index
      %parallel_loop3A_763 = tpu.vector_load %arg5[%parallel_loop3A_762] {strides = array<i32>} : memref<100000xf32, #tpu.memory_space<vmem>>, vector<16xf32>,
      %parallel_loop3A_764 = arith.subf %max3A_72, %parallel_loop3A_763 : vector<16xf32>
      %parallel_loop3A_765 = arith.constant 6.400000e+01 : f32
      %parallel_loop3A_766 = vector.broadcast %parallel_loop3A_765 : f32 to vector<16xf32>
      %parallel_loop3A_767 = arith.mulf %parallel_loop3A_764, %parallel_loop3A_766 : vector<16xf32>
      %parallel_loop3A_768 = arith.constant 1.023000e+03 : f32
      %parallel_loop3A_769 = vector.broadcast %parallel_loop3A_768 : f32 to vector<16xf32>
      %parallel_loop3A_770 = arith.minimumf %parallel_loop3A_767, %parallel_loop3A_769 : vector<16xf32>
      %parallel_loop3A_771 = arith.fptosi %parallel_loop3A_770 : vector<16xf32> to vector<16xi32>
      %parallel_loop3A_772 = arith.addi %parallel_loop3A_771, %mul3A_3 : vector<16xi32>
      tpu.vector_store_idx %arg6[%parallel_loop3A_772], %broadcast_in_dim3A_6 {add = true} : memref<16384xf32, #tpu.memory_space<vmem>>[vector<16xi32>], vector<16xf32>,
    } {sc.loop_unroll_factor = 8 : i64, sc.parallel_access}
    %add3A_134 = arith.constant 5.000000e-01 : f32
    %add3A_135 = vector.broadcast %add3A_134 : f32 to vector<16xf32>
    %add3A_136 = arith.addf %convert_element_type3A, %add3A_135 : vector<16xf32>
    %mul3A_137 = arith.constant -1.562500e-02 : f32
    %mul3A_138 = vector.broadcast %mul3A_137 : f32 to vector<16xf32>
    %mul3A_139 = arith.mulf %add3A_136, %mul3A_138 : vector<16xf32>
    %parallel_loop3A_140 = arith.constant 0 : i32
    %parallel_loop3A_141 = arith.constant 64 : i32
    %parallel_loop3A_142 = arith.constant 1 : i32
    %parallel_loop3A_143:2 = scf.for %parallel_loop3A_759 = %parallel_loop3A_140 to %parallel_loop3A_141 step %parallel_loop3A_142 iter_args(%parallel_loop3A_760 = %broadcast_in_dim3A_4, %parallel_loop3A_761 = %mul3A_139) -> (vector<16xf32>, vector<16xf32>)  : i32 {
      %parallel_loop3A_762 = arith.constant 16 : i32
      %parallel_loop3A_763 = arith.muli %parallel_loop3A_759, %parallel_loop3A_762 : i32
      %parallel_loop3A_764 = arith.index_cast %parallel_loop3A_763 : i32 to index
      %parallel_loop3A_765 = tpu.vector_load %arg6[%parallel_loop3A_764] {strides = array<i32>} : memref<16384xf32, #tpu.memory_space<vmem>>, vector<16xf32>,
      %parallel_loop3A_766 = arith.constant 16 : i32
      %parallel_loop3A_767 = arith.muli %parallel_loop3A_759, %parallel_loop3A_766 : i32
      %parallel_loop3A_768 = arith.constant 1024 : i32
      %parallel_loop3A_769 = arith.addi %parallel_loop3A_768, %parallel_loop3A_767 : i32
      %parallel_loop3A_770 = arith.index_cast %parallel_loop3A_769 : i32 to index
      %parallel_loop3A_771 = tpu.vector_load %arg6[%parallel_loop3A_770] {strides = array<i32>} : memref<16384xf32, #tpu.memory_space<vmem>>, vector<16xf32>,
      %parallel_loop3A_772 = arith.addf %parallel_loop3A_765, %parallel_loop3A_771 : vector<16xf32>
      %parallel_loop3A_773 = arith.constant 16 : i32
      %parallel_loop3A_774 = arith.muli %parallel_loop3A_759, %parallel_loop3A_773 : i32
      %parallel_loop3A_775 = arith.constant 2048 : i32
      %parallel_loop3A_776 = arith.addi %parallel_loop3A_775, %parallel_loop3A_774 : i32
      %parallel_loop3A_777 = arith.index_cast %parallel_loop3A_776 : i32 to index
      %parallel_loop3A_778 = tpu.vector_load %arg6[%parallel_loop3A_777] {strides = array<i32>} : memref<16384xf32, #tpu.memory_space<vmem>>, vector<16xf32>,
      %parallel_loop3A_779 = arith.addf %parallel_loop3A_772, %parallel_loop3A_778 : vector<16xf32>
      %parallel_loop3A_780 = arith.constant 16 : i32
      %parallel_loop3A_781 = arith.muli %parallel_loop3A_759, %parallel_loop3A_780 : i32
      %parallel_loop3A_782 = arith.constant 3072 : i32
      %parallel_loop3A_783 = arith.addi %parallel_loop3A_782, %parallel_loop3A_781 : i32
      %parallel_loop3A_784 = arith.index_cast %parallel_loop3A_783 : i32 to index
      %parallel_loop3A_785 = tpu.vector_load %arg6[%parallel_loop3A_784] {strides = array<i32>} : memref<16384xf32, #tpu.memory_space<vmem>>, vector<16xf32>,
      %parallel_loop3A_786 = arith.addf %parallel_loop3A_779, %parallel_loop3A_785 : vector<16xf32>
      %parallel_loop3A_787 = arith.constant 16 : i32
      %parallel_loop3A_788 = arith.muli %parallel_loop3A_759, %parallel_loop3A_787 : i32
      %parallel_loop3A_789 = arith.constant 4096 : i32
      %parallel_loop3A_790 = arith.addi %parallel_loop3A_789, %parallel_loop3A_788 : i32
      %parallel_loop3A_791 = arith.index_cast %parallel_loop3A_790 : i32 to index
      %parallel_loop3A_792 = tpu.vector_load %arg6[%parallel_loop3A_791] {strides = array<i32>} : memref<16384xf32, #tpu.memory_space<vmem>>, vector<16xf32>,
      %parallel_loop3A_793 = arith.addf %parallel_loop3A_786, %parallel_loop3A_792 : vector<16xf32>
      %parallel_loop3A_794 = arith.constant 16 : i32
      %parallel_loop3A_795 = arith.muli %parallel_loop3A_759, %parallel_loop3A_794 : i32
      %parallel_loop3A_796 = arith.constant 5120 : i32
      %parallel_loop3A_797 = arith.addi %parallel_loop3A_796, %parallel_loop3A_795 : i32
      %parallel_loop3A_798 = arith.index_cast %parallel_loop3A_797 : i32 to index
      %parallel_loop3A_799 = tpu.vector_load %arg6[%parallel_loop3A_798] {strides = array<i32>} : memref<16384xf32, #tpu.memory_space<vmem>>, vector<16xf32>,
      %parallel_loop3A_800 = arith.addf %parallel_loop3A_793, %parallel_loop3A_799 : vector<16xf32>
      %parallel_loop3A_801 = arith.constant 16 : i32
      %parallel_loop3A_802 = arith.muli %parallel_loop3A_759, %parallel_loop3A_801 : i32
      %parallel_loop3A_803 = arith.constant 6144 : i32
      %parallel_loop3A_804 = arith.addi %parallel_loop3A_803, %parallel_loop3A_802 : i32
      %parallel_loop3A_805 = arith.index_cast %parallel_loop3A_804 : i32 to index
      %parallel_loop3A_806 = tpu.vector_load %arg6[%parallel_loop3A_805] {strides = array<i32>} : memref<16384xf32, #tpu.memory_space<vmem>>, vector<16xf32>,
      %parallel_loop3A_807 = arith.addf %parallel_loop3A_800, %parallel_loop3A_806 : vector<16xf32>
      %parallel_loop3A_808 = arith.constant 16 : i32
      %parallel_loop3A_809 = arith.muli %parallel_loop3A_759, %parallel_loop3A_808 : i32
      %parallel_loop3A_810 = arith.constant 7168 : i32
      %parallel_loop3A_811 = arith.addi %parallel_loop3A_810, %parallel_loop3A_809 : i32
      %parallel_loop3A_812 = arith.index_cast %parallel_loop3A_811 : i32 to index
      %parallel_loop3A_813 = tpu.vector_load %arg6[%parallel_loop3A_812] {strides = array<i32>} : memref<16384xf32, #tpu.memory_space<vmem>>, vector<16xf32>,
      %parallel_loop3A_814 = arith.addf %parallel_loop3A_807, %parallel_loop3A_813 : vector<16xf32>
      %parallel_loop3A_815 = arith.constant 16 : i32
      %parallel_loop3A_816 = arith.muli %parallel_loop3A_759, %parallel_loop3A_815 : i32
      %parallel_loop3A_817 = arith.constant 8192 : i32
      %parallel_loop3A_818 = arith.addi %parallel_loop3A_817, %parallel_loop3A_816 : i32
      %parallel_loop3A_819 = arith.index_cast %parallel_loop3A_818 : i32 to index
      %parallel_loop3A_820 = tpu.vector_load %arg6[%parallel_loop3A_819] {strides = array<i32>} : memref<16384xf32, #tpu.memory_space<vmem>>, vector<16xf32>,
      %parallel_loop3A_821 = arith.addf %parallel_loop3A_814, %parallel_loop3A_820 : vector<16xf32>
      %parallel_loop3A_822 = arith.constant 16 : i32
      %parallel_loop3A_823 = arith.muli %parallel_loop3A_759, %parallel_loop3A_822 : i32
      %parallel_loop3A_824 = arith.constant 9216 : i32
      %parallel_loop3A_825 = arith.addi %parallel_loop3A_824, %parallel_loop3A_823 : i32
      %parallel_loop3A_826 = arith.index_cast %parallel_loop3A_825 : i32 to index
      %parallel_loop3A_827 = tpu.vector_load %arg6[%parallel_loop3A_826] {strides = array<i32>} : memref<16384xf32, #tpu.memory_space<vmem>>, vector<16xf32>,
      %parallel_loop3A_828 = arith.addf %parallel_loop3A_821, %parallel_loop3A_827 : vector<16xf32>
      %parallel_loop3A_829 = arith.constant 16 : i32
      %parallel_loop3A_830 = arith.muli %parallel_loop3A_759, %parallel_loop3A_829 : i32
      %parallel_loop3A_831 = arith.constant 10240 : i32
      %parallel_loop3A_832 = arith.addi %parallel_loop3A_831, %parallel_loop3A_830 : i32
      %parallel_loop3A_833 = arith.index_cast %parallel_loop3A_832 : i32 to index
      %parallel_loop3A_834 = tpu.vector_load %arg6[%parallel_loop3A_833] {strides = array<i32>} : memref<16384xf32, #tpu.memory_space<vmem>>, vector<16xf32>,
      %parallel_loop3A_835 = arith.addf %parallel_loop3A_828, %parallel_loop3A_834 : vector<16xf32>
      %parallel_loop3A_836 = arith.constant 16 : i32
      %parallel_loop3A_837 = arith.muli %parallel_loop3A_759, %parallel_loop3A_836 : i32
      %parallel_loop3A_838 = arith.constant 11264 : i32
      %parallel_loop3A_839 = arith.addi %parallel_loop3A_838, %parallel_loop3A_837 : i32
      %parallel_loop3A_840 = arith.index_cast %parallel_loop3A_839 : i32 to index
      %parallel_loop3A_841 = tpu.vector_load %arg6[%parallel_loop3A_840] {strides = array<i32>} : memref<16384xf32, #tpu.memory_space<vmem>>, vector<16xf32>,
      %parallel_loop3A_842 = arith.addf %parallel_loop3A_835, %parallel_loop3A_841 : vector<16xf32>
      %parallel_loop3A_843 = arith.constant 16 : i32
      %parallel_loop3A_844 = arith.muli %parallel_loop3A_759, %parallel_loop3A_843 : i32
      %parallel_loop3A_845 = arith.constant 12288 : i32
      %parallel_loop3A_846 = arith.addi %parallel_loop3A_845, %parallel_loop3A_844 : i32
      %parallel_loop3A_847 = arith.index_cast %parallel_loop3A_846 : i32 to index
      %parallel_loop3A_848 = tpu.vector_load %arg6[%parallel_loop3A_847] {strides = array<i32>} : memref<16384xf32, #tpu.memory_space<vmem>>, vector<16xf32>,
      %parallel_loop3A_849 = arith.addf %parallel_loop3A_842, %parallel_loop3A_848 : vector<16xf32>
      %parallel_loop3A_850 = arith.constant 16 : i32
      %parallel_loop3A_851 = arith.muli %parallel_loop3A_759, %parallel_loop3A_850 : i32
      %parallel_loop3A_852 = arith.constant 13312 : i32
      %parallel_loop3A_853 = arith.addi %parallel_loop3A_852, %parallel_loop3A_851 : i32
      %parallel_loop3A_854 = arith.index_cast %parallel_loop3A_853 : i32 to index
      %parallel_loop3A_855 = tpu.vector_load %arg6[%parallel_loop3A_854] {strides = array<i32>} : memref<16384xf32, #tpu.memory_space<vmem>>, vector<16xf32>,
      %parallel_loop3A_856 = arith.addf %parallel_loop3A_849, %parallel_loop3A_855 : vector<16xf32>
      %parallel_loop3A_857 = arith.constant 16 : i32
      %parallel_loop3A_858 = arith.muli %parallel_loop3A_759, %parallel_loop3A_857 : i32
      %parallel_loop3A_859 = arith.constant 14336 : i32
      %parallel_loop3A_860 = arith.addi %parallel_loop3A_859, %parallel_loop3A_858 : i32
      %parallel_loop3A_861 = arith.index_cast %parallel_loop3A_860 : i32 to index
      %parallel_loop3A_862 = tpu.vector_load %arg6[%parallel_loop3A_861] {strides = array<i32>} : memref<16384xf32, #tpu.memory_space<vmem>>, vector<16xf32>,
      %parallel_loop3A_863 = arith.addf %parallel_loop3A_856, %parallel_loop3A_862 : vector<16xf32>
      %parallel_loop3A_864 = arith.constant 16 : i32
      %parallel_loop3A_865 = arith.muli %parallel_loop3A_759, %parallel_loop3A_864 : i32
      %parallel_loop3A_866 = arith.constant 15360 : i32
      %parallel_loop3A_867 = arith.addi %parallel_loop3A_866, %parallel_loop3A_865 : i32
      %parallel_loop3A_868 = arith.index_cast %parallel_loop3A_867 : i32 to index
      %parallel_loop3A_869 = tpu.vector_load %arg6[%parallel_loop3A_868] {strides = array<i32>} : memref<16384xf32, #tpu.memory_space<vmem>>, vector<16xf32>,
      %parallel_loop3A_870 = arith.addf %parallel_loop3A_863, %parallel_loop3A_869 : vector<16xf32>
      %parallel_loop3A_871 = math.exp %parallel_loop3A_761 : vector<16xf32>
      %parallel_loop3A_872 = arith.mulf %parallel_loop3A_870, %parallel_loop3A_871 : vector<16xf32>
      %parallel_loop3A_873 = arith.constant 16 : i32
      %parallel_loop3A_874 = arith.muli %parallel_loop3A_759, %parallel_loop3A_873 : i32
      %parallel_loop3A_875 = arith.index_cast %parallel_loop3A_874 : i32 to index
      %parallel_loop3A_876 = tpu.vector_load %arg7[%parallel_loop3A_875] {strides = array<i32>} : memref<1024xf32, #tpu.memory_space<vmem>>, vector<16xf32>,
      tpu.vector_store %arg7[%parallel_loop3A_875], %parallel_loop3A_872 {strides = array<i32>} : memref<1024xf32, #tpu.memory_space<vmem>>, vector<16xf32>,
      %parallel_loop3A_877 = arith.addf %parallel_loop3A_760, %parallel_loop3A_872 : vector<16xf32>
      %parallel_loop3A_878 = arith.constant 2.500000e-01 : f32
      %parallel_loop3A_879 = vector.broadcast %parallel_loop3A_878 : f32 to vector<16xf32>
      %parallel_loop3A_880 = arith.subf %parallel_loop3A_761, %parallel_loop3A_879 : vector<16xf32>
      scf.yield %parallel_loop3A_877, %parallel_loop3A_880 : vector<16xf32>, vector<16xf32>
    } {sc.loop_unroll_factor = 2 : i64, sc.parallel_access}
    %iota3A_144 = tpu.iota {dimensions = array<i32: 0>} : vector<16xi32>
    %xor3A_145 = arith.constant 8 : i32
    %xor3A_146 = vector.broadcast %xor3A_145 : i32 to vector<16xi32>
    %xor3A_147 = arith.xori %iota3A_144, %xor3A_146 : vector<16xi32>
    %lt3A_148 = arith.constant 0 : i32
    %lt3A_149 = vector.broadcast %lt3A_148 : i32 to vector<16xi32>
    %lt3A_150 = arith.cmpi slt, %xor3A_147, %lt3A_149 : vector<16xi32>
    %add3A_151 = arith.constant 16 : i32
    %add3A_152 = vector.broadcast %add3A_151 : i32 to vector<16xi32>
    %add3A_153 = arith.addi %xor3A_147, %add3A_152 : vector<16xi32>
    %select_n3A_154 = arith.select %lt3A_150, %add3A_153, %xor3A_147 : vector<16xi1>, vector<16xi32>
    %broadcast_in_dim3A_155 = vector.shape_cast %select_n3A_154 : vector<16xi32> to vector<16x1xi32>
    %gather3A_156 = vector.shape_cast %broadcast_in_dim3A_155 : vector<16x1xi32> to vector<16xi32>
    %gather3A_157 = tpu.dynamic_gather %parallel_loop3A_143#0[%gather3A_156] in [0] : vector<16xf32>, vector<16xi32> -> vector<16xf32>
    %add3A_158 = arith.addf %parallel_loop3A_143#0, %gather3A_157 : vector<16xf32>
    %xor3A_159 = arith.constant 4 : i32
    %xor3A_160 = vector.broadcast %xor3A_159 : i32 to vector<16xi32>
    %xor3A_161 = arith.xori %iota3A_144, %xor3A_160 : vector<16xi32>
    %lt3A_162 = arith.constant 0 : i32
    %lt3A_163 = vector.broadcast %lt3A_162 : i32 to vector<16xi32>
    %lt3A_164 = arith.cmpi slt, %xor3A_161, %lt3A_163 : vector<16xi32>
    %add3A_165 = arith.constant 16 : i32
    %add3A_166 = vector.broadcast %add3A_165 : i32 to vector<16xi32>
    %add3A_167 = arith.addi %xor3A_161, %add3A_166 : vector<16xi32>
    %select_n3A_168 = arith.select %lt3A_164, %add3A_167, %xor3A_161 : vector<16xi1>, vector<16xi32>
    %broadcast_in_dim3A_169 = vector.shape_cast %select_n3A_168 : vector<16xi32> to vector<16x1xi32>
    %gather3A_170 = vector.shape_cast %broadcast_in_dim3A_169 : vector<16x1xi32> to vector<16xi32>
    %gather3A_171 = tpu.dynamic_gather %add3A_158[%gather3A_170] in [0] : vector<16xf32>, vector<16xi32> -> vector<16xf32>
    %add3A_172 = arith.addf %add3A_158, %gather3A_171 : vector<16xf32>
    %xor3A_173 = arith.constant 2 : i32
    %xor3A_174 = vector.broadcast %xor3A_173 : i32 to vector<16xi32>
    %xor3A_175 = arith.xori %iota3A_144, %xor3A_174 : vector<16xi32>
    %lt3A_176 = arith.constant 0 : i32
    %lt3A_177 = vector.broadcast %lt3A_176 : i32 to vector<16xi32>
    %lt3A_178 = arith.cmpi slt, %xor3A_175, %lt3A_177 : vector<16xi32>
    %add3A_179 = arith.constant 16 : i32
    %add3A_180 = vector.broadcast %add3A_179 : i32 to vector<16xi32>
    %add3A_181 = arith.addi %xor3A_175, %add3A_180 : vector<16xi32>
    %select_n3A_182 = arith.select %lt3A_178, %add3A_181, %xor3A_175 : vector<16xi1>, vector<16xi32>
    %broadcast_in_dim3A_183 = vector.shape_cast %select_n3A_182 : vector<16xi32> to vector<16x1xi32>
    %gather3A_184 = vector.shape_cast %broadcast_in_dim3A_183 : vector<16x1xi32> to vector<16xi32>
    %gather3A_185 = tpu.dynamic_gather %add3A_172[%gather3A_184] in [0] : vector<16xf32>, vector<16xi32> -> vector<16xf32>
    %add3A_186 = arith.addf %add3A_172, %gather3A_185 : vector<16xf32>
    %xor3A_187 = arith.constant 1 : i32
    %xor3A_188 = vector.broadcast %xor3A_187 : i32 to vector<16xi32>
    %xor3A_189 = arith.xori %iota3A_144, %xor3A_188 : vector<16xi32>
    %lt3A_190 = arith.constant 0 : i32
    %lt3A_191 = vector.broadcast %lt3A_190 : i32 to vector<16xi32>
    %lt3A_192 = arith.cmpi slt, %xor3A_189, %lt3A_191 : vector<16xi32>
    %add3A_193 = arith.constant 16 : i32
    %add3A_194 = vector.broadcast %add3A_193 : i32 to vector<16xi32>
    %add3A_195 = arith.addi %xor3A_189, %add3A_194 : vector<16xi32>
    %select_n3A_196 = arith.select %lt3A_192, %add3A_195, %xor3A_189 : vector<16xi1>, vector<16xi32>
    %broadcast_in_dim3A_197 = vector.shape_cast %select_n3A_196 : vector<16xi32> to vector<16x1xi32>
    %gather3A_198 = vector.shape_cast %broadcast_in_dim3A_197 : vector<16x1xi32> to vector<16xi32>
    %gather3A_199 = tpu.dynamic_gather %add3A_186[%gather3A_198] in [0] : vector<16xf32>, vector<16xi32> -> vector<16xf32>
    %add3A_200 = arith.addf %add3A_186, %gather3A_199 : vector<16xf32>
    %mul3A_201 = arith.constant 0.949999988 : f32
    %mul3A_202 = vector.broadcast %mul3A_201 : f32 to vector<16xf32>
    %mul3A_203 = arith.mulf %mul3A_202, %add3A_200 : vector<16xf32>
    %broadcast_in_dim3A_204 = arith.constant 15 : i32
    %broadcast_in_dim3A_205 = vector.broadcast %broadcast_in_dim3A_204 : i32 to vector<16xi32>
    %parallel_loop3A_206 = arith.constant 0 : i32
    %parallel_loop3A_207 = arith.constant 64 : i32
    %parallel_loop3A_208 = arith.constant 1 : i32
    %parallel_loop3A_209:4 = scf.for %parallel_loop3A_759 = %parallel_loop3A_206 to %parallel_loop3A_207 step %parallel_loop3A_208 iter_args(%parallel_loop3A_760 = %broadcast_in_dim3A_4, %parallel_loop3A_761 = %broadcast_in_dim3A_4, %parallel_loop3A_762 = %broadcast_in_dim3A_4, %parallel_loop3A_763 = %mul3A_139) -> (vector<16xf32>, vector<16xf32>, vector<16xf32>, vector<16xf32>)  : i32 {
      %parallel_loop3A_764 = arith.constant 16 : i32
      %parallel_loop3A_765 = arith.muli %parallel_loop3A_759, %parallel_loop3A_764 : i32
      %parallel_loop3A_766 = arith.index_cast %parallel_loop3A_765 : i32 to index
      %parallel_loop3A_767 = tpu.vector_load %arg7[%parallel_loop3A_766] {strides = array<i32>} : memref<1024xf32, #tpu.memory_space<vmem>>, vector<16xf32>,
      %parallel_loop3A_768 = arith.constant true
      %parallel_loop3A_769 = vector.broadcast %parallel_loop3A_768 : i1 to vector<16xi1>
      %parallel_loop3A_770 = tpu.scan <sum>, %parallel_loop3A_767 masked %parallel_loop3A_769 : vector<16xf32>, vector<16xi1> -> vector<16xf32>
      %parallel_loop3A_771 = arith.subf %parallel_loop3A_770, %parallel_loop3A_767 : vector<16xf32>
      %parallel_loop3A_772 = arith.addf %parallel_loop3A_771, %parallel_loop3A_760 : vector<16xf32>
      %parallel_loop3A_773 = arith.cmpf ole, %parallel_loop3A_772, %mul3A_203 : vector<16xf32>
      %parallel_loop3A_774 = arith.constant 0.000000e+00 : f32
      %parallel_loop3A_775 = vector.broadcast %parallel_loop3A_774 : f32 to vector<16xf32>
      %parallel_loop3A_776 = arith.select %parallel_loop3A_773, %parallel_loop3A_767, %parallel_loop3A_775 : vector<16xi1>, vector<16xf32>
      %parallel_loop3A_777 = arith.constant 0 : i32
      %parallel_loop3A_778 = vector.broadcast %parallel_loop3A_777 : i32 to vector<16xi32>
      %parallel_loop3A_779 = arith.cmpi slt, %broadcast_in_dim3A_205, %parallel_loop3A_778 : vector<16xi32>
      %parallel_loop3A_780 = arith.constant 16 : i32
      %parallel_loop3A_781 = vector.broadcast %parallel_loop3A_780 : i32 to vector<16xi32>
      %parallel_loop3A_782 = arith.addi %broadcast_in_dim3A_205, %parallel_loop3A_781 : vector<16xi32>
      %parallel_loop3A_783 = arith.select %parallel_loop3A_779, %parallel_loop3A_782, %broadcast_in_dim3A_205 : vector<16xi1>, vector<16xi32>
      %parallel_loop3A_784 = vector.shape_cast %parallel_loop3A_783 : vector<16xi32> to vector<16x1xi32>
      %parallel_loop3A_785 = vector.shape_cast %parallel_loop3A_784 : vector<16x1xi32> to vector<16xi32>
      %parallel_loop3A_786 = tpu.dynamic_gather %parallel_loop3A_770[%parallel_loop3A_785] in [0] : vector<16xf32>, vector<16xi32> -> vector<16xf32>
      %parallel_loop3A_787 = arith.addf %parallel_loop3A_760, %parallel_loop3A_786 : vector<16xf32>
      %parallel_loop3A_788 = arith.addf %parallel_loop3A_761, %parallel_loop3A_776 : vector<16xf32>
      %parallel_loop3A_789 = arith.mulf %parallel_loop3A_776, %parallel_loop3A_763 : vector<16xf32>
      %parallel_loop3A_790 = arith.addf %parallel_loop3A_762, %parallel_loop3A_789 : vector<16xf32>
      %parallel_loop3A_791 = arith.constant 2.500000e-01 : f32
      %parallel_loop3A_792 = vector.broadcast %parallel_loop3A_791 : f32 to vector<16xf32>
      %parallel_loop3A_793 = arith.subf %parallel_loop3A_763, %parallel_loop3A_792 : vector<16xf32>
      scf.yield %parallel_loop3A_787, %parallel_loop3A_788, %parallel_loop3A_790, %parallel_loop3A_793 : vector<16xf32>, vector<16xf32>, vector<16xf32>, vector<16xf32>
    } {sc.loop_unroll_factor = 1 : i64, sc.parallel_access}
    %iota3A_210 = tpu.iota {dimensions = array<i32: 0>} : vector<16xi32>
    %xor3A_211 = arith.constant 8 : i32
    %xor3A_212 = vector.broadcast %xor3A_211 : i32 to vector<16xi32>
    %xor3A_213 = arith.xori %iota3A_210, %xor3A_212 : vector<16xi32>
    %lt3A_214 = arith.constant 0 : i32
    %lt3A_215 = vector.broadcast %lt3A_214 : i32 to vector<16xi32>
    %lt3A_216 = arith.cmpi slt, %xor3A_213, %lt3A_215 : vector<16xi32>
    %add3A_217 = arith.constant 16 : i32
    %add3A_218 = vector.broadcast %add3A_217 : i32 to vector<16xi32>
    %add3A_219 = arith.addi %xor3A_213, %add3A_218 : vector<16xi32>
    %select_n3A_220 = arith.select %lt3A_216, %add3A_219, %xor3A_213 : vector<16xi1>, vector<16xi32>
    %broadcast_in_dim3A_221 = vector.shape_cast %select_n3A_220 : vector<16xi32> to vector<16x1xi32>
    %gather3A_222 = vector.shape_cast %broadcast_in_dim3A_221 : vector<16x1xi32> to vector<16xi32>
    %gather3A_223 = tpu.dynamic_gather %parallel_loop3A_209#1[%gather3A_222] in [0] : vector<16xf32>, vector<16xi32> -> vector<16xf32>
    %add3A_224 = arith.addf %parallel_loop3A_209#1, %gather3A_223 : vector<16xf32>
    %xor3A_225 = arith.constant 4 : i32
    %xor3A_226 = vector.broadcast %xor3A_225 : i32 to vector<16xi32>
    %xor3A_227 = arith.xori %iota3A_210, %xor3A_226 : vector<16xi32>
    %lt3A_228 = arith.constant 0 : i32
    %lt3A_229 = vector.broadcast %lt3A_228 : i32 to vector<16xi32>
    %lt3A_230 = arith.cmpi slt, %xor3A_227, %lt3A_229 : vector<16xi32>
    %add3A_231 = arith.constant 16 : i32
    %add3A_232 = vector.broadcast %add3A_231 : i32 to vector<16xi32>
    %add3A_233 = arith.addi %xor3A_227, %add3A_232 : vector<16xi32>
    %select_n3A_234 = arith.select %lt3A_230, %add3A_233, %xor3A_227 : vector<16xi1>, vector<16xi32>
    %broadcast_in_dim3A_235 = vector.shape_cast %select_n3A_234 : vector<16xi32> to vector<16x1xi32>
    %gather3A_236 = vector.shape_cast %broadcast_in_dim3A_235 : vector<16x1xi32> to vector<16xi32>
    %gather3A_237 = tpu.dynamic_gather %add3A_224[%gather3A_236] in [0] : vector<16xf32>, vector<16xi32> -> vector<16xf32>
    %add3A_238 = arith.addf %add3A_224, %gather3A_237 : vector<16xf32>
    %xor3A_239 = arith.constant 2 : i32
    %xor3A_240 = vector.broadcast %xor3A_239 : i32 to vector<16xi32>
    %xor3A_241 = arith.xori %iota3A_210, %xor3A_240 : vector<16xi32>
    %lt3A_242 = arith.constant 0 : i32
    %lt3A_243 = vector.broadcast %lt3A_242 : i32 to vector<16xi32>
    %lt3A_244 = arith.cmpi slt, %xor3A_241, %lt3A_243 : vector<16xi32>
    %add3A_245 = arith.constant 16 : i32
    %add3A_246 = vector.broadcast %add3A_245 : i32 to vector<16xi32>
    %add3A_247 = arith.addi %xor3A_241, %add3A_246 : vector<16xi32>
    %select_n3A_248 = arith.select %lt3A_244, %add3A_247, %xor3A_241 : vector<16xi1>, vector<16xi32>
    %broadcast_in_dim3A_249 = vector.shape_cast %select_n3A_248 : vector<16xi32> to vector<16x1xi32>
    %gather3A_250 = vector.shape_cast %broadcast_in_dim3A_249 : vector<16x1xi32> to vector<16xi32>
    %gather3A_251 = tpu.dynamic_gather %add3A_238[%gather3A_250] in [0] : vector<16xf32>, vector<16xi32> -> vector<16xf32>
    %add3A_252 = arith.addf %add3A_238, %gather3A_251 : vector<16xf32>
    %xor3A_253 = arith.constant 1 : i32
    %xor3A_254 = vector.broadcast %xor3A_253 : i32 to vector<16xi32>
    %xor3A_255 = arith.xori %iota3A_210, %xor3A_254 : vector<16xi32>
    %lt3A_256 = arith.constant 0 : i32
    %lt3A_257 = vector.broadcast %lt3A_256 : i32 to vector<16xi32>
    %lt3A_258 = arith.cmpi slt, %xor3A_255, %lt3A_257 : vector<16xi32>
    %add3A_259 = arith.constant 16 : i32
    %add3A_260 = vector.broadcast %add3A_259 : i32 to vector<16xi32>
    %add3A_261 = arith.addi %xor3A_255, %add3A_260 : vector<16xi32>
    %select_n3A_262 = arith.select %lt3A_258, %add3A_261, %xor3A_255 : vector<16xi1>, vector<16xi32>
    %broadcast_in_dim3A_263 = vector.shape_cast %select_n3A_262 : vector<16xi32> to vector<16x1xi32>
    %gather3A_264 = vector.shape_cast %broadcast_in_dim3A_263 : vector<16x1xi32> to vector<16xi32>
    %gather3A_265 = tpu.dynamic_gather %add3A_252[%gather3A_264] in [0] : vector<16xf32>, vector<16xi32> -> vector<16xf32>
    %add3A_266 = arith.addf %add3A_252, %gather3A_265 : vector<16xf32>
    %iota3A_267 = tpu.iota {dimensions = array<i32: 0>} : vector<16xi32>
    %xor3A_268 = arith.constant 8 : i32
    %xor3A_269 = vector.broadcast %xor3A_268 : i32 to vector<16xi32>
    %xor3A_270 = arith.xori %iota3A_267, %xor3A_269 : vector<16xi32>
    %lt3A_271 = arith.constant 0 : i32
    %lt3A_272 = vector.broadcast %lt3A_271 : i32 to vector<16xi32>
    %lt3A_273 = arith.cmpi slt, %xor3A_270, %lt3A_272 : vector<16xi32>
    %add3A_274 = arith.constant 16 : i32
    %add3A_275 = vector.broadcast %add3A_274 : i32 to vector<16xi32>
    %add3A_276 = arith.addi %xor3A_270, %add3A_275 : vector<16xi32>
    %select_n3A_277 = arith.select %lt3A_273, %add3A_276, %xor3A_270 : vector<16xi1>, vector<16xi32>
    %broadcast_in_dim3A_278 = vector.shape_cast %select_n3A_277 : vector<16xi32> to vector<16x1xi32>
    %gather3A_279 = vector.shape_cast %broadcast_in_dim3A_278 : vector<16x1xi32> to vector<16xi32>
    %gather3A_280 = tpu.dynamic_gather %parallel_loop3A_209#2[%gather3A_279] in [0] : vector<16xf32>, vector<16xi32> -> vector<16xf32>
    %add3A_281 = arith.addf %parallel_loop3A_209#2, %gather3A_280 : vector<16xf32>
    %xor3A_282 = arith.constant 4 : i32
    %xor3A_283 = vector.broadcast %xor3A_282 : i32 to vector<16xi32>
    %xor3A_284 = arith.xori %iota3A_267, %xor3A_283 : vector<16xi32>
    %lt3A_285 = arith.constant 0 : i32
    %lt3A_286 = vector.broadcast %lt3A_285 : i32 to vector<16xi32>
    %lt3A_287 = arith.cmpi slt, %xor3A_284, %lt3A_286 : vector<16xi32>
    %add3A_288 = arith.constant 16 : i32
    %add3A_289 = vector.broadcast %add3A_288 : i32 to vector<16xi32>
    %add3A_290 = arith.addi %xor3A_284, %add3A_289 : vector<16xi32>
    %select_n3A_291 = arith.select %lt3A_287, %add3A_290, %xor3A_284 : vector<16xi1>, vector<16xi32>
    %broadcast_in_dim3A_292 = vector.shape_cast %select_n3A_291 : vector<16xi32> to vector<16x1xi32>
    %gather3A_293 = vector.shape_cast %broadcast_in_dim3A_292 : vector<16x1xi32> to vector<16xi32>
    %gather3A_294 = tpu.dynamic_gather %add3A_281[%gather3A_293] in [0] : vector<16xf32>, vector<16xi32> -> vector<16xf32>
    %add3A_295 = arith.addf %add3A_281, %gather3A_294 : vector<16xf32>
    %xor3A_296 = arith.constant 2 : i32
    %xor3A_297 = vector.broadcast %xor3A_296 : i32 to vector<16xi32>
    %xor3A_298 = arith.xori %iota3A_267, %xor3A_297 : vector<16xi32>
    %lt3A_299 = arith.constant 0 : i32
    %lt3A_300 = vector.broadcast %lt3A_299 : i32 to vector<16xi32>
    %lt3A_301 = arith.cmpi slt, %xor3A_298, %lt3A_300 : vector<16xi32>
    %add3A_302 = arith.constant 16 : i32
    %add3A_303 = vector.broadcast %add3A_302 : i32 to vector<16xi32>
    %add3A_304 = arith.addi %xor3A_298, %add3A_303 : vector<16xi32>
    %select_n3A_305 = arith.select %lt3A_301, %add3A_304, %xor3A_298 : vector<16xi1>, vector<16xi32>
    %broadcast_in_dim3A_306 = vector.shape_cast %select_n3A_305 : vector<16xi32> to vector<16x1xi32>
    %gather3A_307 = vector.shape_cast %broadcast_in_dim3A_306 : vector<16x1xi32> to vector<16xi32>
    %gather3A_308 = tpu.dynamic_gather %add3A_295[%gather3A_307] in [0] : vector<16xf32>, vector<16xi32> -> vector<16xf32>
    %add3A_309 = arith.addf %add3A_295, %gather3A_308 : vector<16xf32>
    %xor3A_310 = arith.constant 1 : i32
    %xor3A_311 = vector.broadcast %xor3A_310 : i32 to vector<16xi32>
    %xor3A_312 = arith.xori %iota3A_267, %xor3A_311 : vector<16xi32>
    %lt3A_313 = arith.constant 0 : i32
    %lt3A_314 = vector.broadcast %lt3A_313 : i32 to vector<16xi32>
    %lt3A_315 = arith.cmpi slt, %xor3A_312, %lt3A_314 : vector<16xi32>
    %add3A_316 = arith.constant 16 : i32
    %add3A_317 = vector.broadcast %add3A_316 : i32 to vector<16xi32>
    %add3A_318 = arith.addi %xor3A_312, %add3A_317 : vector<16xi32>
    %select_n3A_319 = arith.select %lt3A_315, %add3A_318, %xor3A_312 : vector<16xi1>, vector<16xi32>
    %broadcast_in_dim3A_320 = vector.shape_cast %select_n3A_319 : vector<16xi32> to vector<16x1xi32>
    %gather3A_321 = vector.shape_cast %broadcast_in_dim3A_320 : vector<16x1xi32> to vector<16xi32>
    %gather3A_322 = tpu.dynamic_gather %add3A_309[%gather3A_321] in [0] : vector<16xf32>, vector<16xi32> -> vector<16xf32>
    %add3A_323 = arith.addf %add3A_309, %gather3A_322 : vector<16xf32>
    %bitcast3A = vector.bitcast %add3A_266 : vector<16xf32> to vector<16xi32>
    %shift_right_logical3A = arith.constant 23 : i32
    %shift_right_logical3A_324 = vector.broadcast %shift_right_logical3A : i32 to vector<16xi32>
    %shift_right_logical3A_325 = arith.shrui %bitcast3A, %shift_right_logical3A_324 : vector<16xi32>
    %bitcast3A_326 = vector.bitcast %shift_right_logical3A_325 : vector<16xi32> to vector<16xi32>
    %sub3A = arith.constant 127 : i32
    %sub3A_327 = vector.broadcast %sub3A : i32 to vector<16xi32>
    %sub3A_328 = arith.subi %bitcast3A_326, %sub3A_327 : vector<16xi32>
    %and3A = arith.constant 8388607 : i32
    %and3A_329 = vector.broadcast %and3A : i32 to vector<16xi32>
    %and3A_330 = arith.andi %bitcast3A, %and3A_329 : vector<16xi32>
    %or3A = arith.constant 1065353216 : i32
    %or3A_331 = vector.broadcast %or3A : i32 to vector<16xi32>
    %or3A_332 = arith.ori %and3A_330, %or3A_331 : vector<16xi32>
    %bitcast3A_333 = vector.bitcast %or3A_332 : vector<16xi32> to vector<16xf32>
    %convert_element_type3A_334 = arith.sitofp %sub3A_328 : vector<16xi32> to vector<16xf32>
    %mul3A_335 = arith.constant 0.693147182 : f32
    %mul3A_336 = vector.broadcast %mul3A_335 : f32 to vector<16xf32>
    %mul3A_337 = arith.mulf %convert_element_type3A_334, %mul3A_336 : vector<16xf32>
    %sub3A_338 = arith.constant 1.000000e+00 : f32
    %sub3A_339 = vector.broadcast %sub3A_338 : f32 to vector<16xf32>
    %sub3A_340 = arith.subf %bitcast3A_333, %sub3A_339 : vector<16xf32>
    %mul3A_341 = arith.constant 0.693147182 : f32
    %mul3A_342 = vector.broadcast %mul3A_341 : f32 to vector<16xf32>
    %mul3A_343 = arith.mulf %sub3A_340, %mul3A_342 : vector<16xf32>
    %add3A_344 = arith.addf %mul3A_337, %mul3A_343 : vector<16xf32>
    %neg3A = arith.constant 0.000000e+00 : f32
    %neg3A_345 = vector.broadcast %neg3A : f32 to vector<16xf32>
    %neg3A_346 = arith.subf %neg3A_345, %add3A_344 : vector<16xf32>
    %exp3A = math.exp %neg3A_346 : vector<16xf32>
    %mul3A_347 = arith.mulf %add3A_266, %exp3A : vector<16xf32>
    %add3A_348 = arith.addf %add3A_344, %mul3A_347 : vector<16xf32>
    %sub3A_349 = arith.constant 1.000000e+00 : f32
    %sub3A_350 = vector.broadcast %sub3A_349 : f32 to vector<16xf32>
    %sub3A_351 = arith.subf %add3A_348, %sub3A_350 : vector<16xf32>
    %neg3A_352 = arith.constant 0.000000e+00 : f32
    %neg3A_353 = vector.broadcast %neg3A_352 : f32 to vector<16xf32>
    %neg3A_354 = arith.subf %neg3A_353, %sub3A_351 : vector<16xf32>
    %exp3A_355 = math.exp %neg3A_354 : vector<16xf32>
    %mul3A_356 = arith.mulf %add3A_266, %exp3A_355 : vector<16xf32>
    %add3A_357 = arith.addf %sub3A_351, %mul3A_356 : vector<16xf32>
    %sub3A_358 = arith.constant 1.000000e+00 : f32
    %sub3A_359 = vector.broadcast %sub3A_358 : f32 to vector<16xf32>
    %sub3A_360 = arith.subf %add3A_357, %sub3A_359 : vector<16xf32>
    %neg3A_361 = arith.constant 0.000000e+00 : f32
    %neg3A_362 = vector.broadcast %neg3A_361 : f32 to vector<16xf32>
    %neg3A_363 = arith.subf %neg3A_362, %sub3A_360 : vector<16xf32>
    %exp3A_364 = math.exp %neg3A_363 : vector<16xf32>
    %mul3A_365 = arith.mulf %add3A_266, %exp3A_364 : vector<16xf32>
    %add3A_366 = arith.addf %sub3A_360, %mul3A_365 : vector<16xf32>
    %sub3A_367 = arith.constant 1.000000e+00 : f32
    %sub3A_368 = vector.broadcast %sub3A_367 : f32 to vector<16xf32>
    %sub3A_369 = arith.subf %add3A_366, %sub3A_368 : vector<16xf32>
    %div3A = arith.divf %add3A_323, %add3A_266 : vector<16xf32>
    %sub3A_370 = arith.subf %div3A, %sub3A_369 : vector<16xf32>
    %swap3A = arith.constant 0 : index
    %swap3A_371 = tpu.vector_load %arg9[%swap3A] {strides = array<i32>} : memref<16xf32, #tpu.memory_space<vmem>>, vector<16xf32>,
    tpu.vector_store %arg9[%swap3A], %sub3A_370 {strides = array<i32>} : memref<16xf32, #tpu.memory_space<vmem>>, vector<16xf32>,
    "tpu.region"() ({
      %run_scoped3A = tpu.sem_alloc : memref<!tpu.dma_semaphore, #tpu.memory_space<semaphore_mem>>
      %dma_start3A = arith.constant 0 : i32
      %dma_start3A_759 = tpu.memref_slice %arg3[%add3A_10, %dma_start3A] : memref<64x16xf32, #tpu.memory_space<hbm>> -> memref<1x16xf32, #tpu.memory_space<hbm>>
      %dma_start3A_760 = tpu.memref_squeeze %dma_start3A_759 : memref<1x16xf32, #tpu.memory_space<hbm>> -> memref<16xf32, #tpu.memory_space<hbm>>
      %dma_start3A_761 = arith.constant 0 : i32
      %dma_start3A_762 = tpu.memref_slice %arg3[%add3A_10, %dma_start3A_761] : memref<64x16xf32, #tpu.memory_space<hbm>> -> memref<1x16xf32, #tpu.memory_space<hbm>>
      %dma_start3A_763 = tpu.memref_squeeze %dma_start3A_762 : memref<1x16xf32, #tpu.memory_space<hbm>> -> memref<16xf32, #tpu.memory_space<hbm>>
      tpu.enqueue_dma source(%arg9 : memref<16xf32, #tpu.memory_space<vmem>>) target(%dma_start3A_763 : memref<16xf32, #tpu.memory_space<hbm>>) target_semaphore(%run_scoped3A : memref<!tpu.dma_semaphore, #tpu.memory_space<semaphore_mem>>)
      %dma_wait3A = arith.constant 0 : i32
      %dma_wait3A_764 = tpu.memref_slice %arg3[%add3A_10, %dma_wait3A] : memref<64x16xf32, #tpu.memory_space<hbm>> -> memref<1x16xf32, #tpu.memory_space<hbm>>
      %dma_wait3A_765 = tpu.memref_squeeze %dma_wait3A_764 : memref<1x16xf32, #tpu.memory_space<hbm>> -> memref<16xf32, #tpu.memory_space<hbm>>
      %dma_wait3A_766 = arith.constant 0 : i32
      %dma_wait3A_767 = tpu.memref_slice %arg3[%add3A_10, %dma_wait3A_766] : memref<64x16xf32, #tpu.memory_space<hbm>> -> memref<1x16xf32, #tpu.memory_space<hbm>>
      %dma_wait3A_768 = tpu.memref_squeeze %dma_wait3A_767 : memref<1x16xf32, #tpu.memory_space<hbm>> -> memref<16xf32, #tpu.memory_space<hbm>>
      tpu.wait_dma2 semaphore(%run_scoped3A : memref<!tpu.dma_semaphore, #tpu.memory_space<semaphore_mem>>) src(%arg9 : memref<16xf32, #tpu.memory_space<vmem>>) dst(%dma_wait3A_768 : memref<16xf32, #tpu.memory_space<hbm>>)
      tpu.yield
    }) : () -> ()
    %swap3A_372 = arith.constant 0 : index
    %swap3A_373 = tpu.vector_load %arg8[%swap3A_372] {strides = array<i32>} : memref<16xi32, #tpu.memory_space<vmem>>, vector<16xi32>,
    tpu.vector_store %arg8[%swap3A_372], %min3A_130 {strides = array<i32>} : memref<16xi32, #tpu.memory_space<vmem>>, vector<16xi32>,
    "tpu.region"() ({
      %run_scoped3A = tpu.sem_alloc : memref<!tpu.dma_semaphore, #tpu.memory_space<semaphore_mem>>
      %dma_start3A = arith.constant 0 : i32
      %dma_start3A_759 = tpu.memref_slice %arg4[%add3A_10, %dma_start3A] : memref<64x16xi32, #tpu.memory_space<hbm>> -> memref<1x16xi32, #tpu.memory_space<hbm>>
      %dma_start3A_760 = tpu.memref_squeeze %dma_start3A_759 : memref<1x16xi32, #tpu.memory_space<hbm>> -> memref<16xi32, #tpu.memory_space<hbm>>
      %dma_start3A_761 = arith.constant 0 : i32
      %dma_start3A_762 = tpu.memref_slice %arg4[%add3A_10, %dma_start3A_761] : memref<64x16xi32, #tpu.memory_space<hbm>> -> memref<1x16xi32, #tpu.memory_space<hbm>>
      %dma_start3A_763 = tpu.memref_squeeze %dma_start3A_762 : memref<1x16xi32, #tpu.memory_space<hbm>> -> memref<16xi32, #tpu.memory_space<hbm>>
      tpu.enqueue_dma source(%arg8 : memref<16xi32, #tpu.memory_space<vmem>>) target(%dma_start3A_763 : memref<16xi32, #tpu.memory_space<hbm>>) target_semaphore(%run_scoped3A : memref<!tpu.dma_semaphore, #tpu.memory_space<semaphore_mem>>)
      %dma_wait3A = arith.constant 0 : i32
      %dma_wait3A_764 = tpu.memref_slice %arg4[%add3A_10, %dma_wait3A] : memref<64x16xi32, #tpu.memory_space<hbm>> -> memref<1x16xi32, #tpu.memory_space<hbm>>
      %dma_wait3A_765 = tpu.memref_squeeze %dma_wait3A_764 : memref<1x16xi32, #tpu.memory_space<hbm>> -> memref<16xi32, #tpu.memory_space<hbm>>
      %dma_wait3A_766 = arith.constant 0 : i32
      %dma_wait3A_767 = tpu.memref_slice %arg4[%add3A_10, %dma_wait3A_766] : memref<64x16xi32, #tpu.memory_space<hbm>> -> memref<1x16xi32, #tpu.memory_space<hbm>>
      %dma_wait3A_768 = tpu.memref_squeeze %dma_wait3A_767 : memref<1x16xi32, #tpu.memory_space<hbm>> -> memref<16xi32, #tpu.memory_space<hbm>>
      tpu.wait_dma2 semaphore(%run_scoped3A : memref<!tpu.dma_semaphore, #tpu.memory_space<semaphore_mem>>) src(%arg8 : memref<16xi32, #tpu.memory_space<vmem>>) dst(%dma_wait3A_768 : memref<16xi32, #tpu.memory_space<hbm>>)
      tpu.yield
    }) : () -> ()
    %mul3A_374 = arith.constant 2 : i32
    %mul3A_375 = arith.muli %add3A, %mul3A_374 : i32
    %add3A_376 = arith.constant 1 : i32
    %add3A_377 = arith.addi %mul3A_375, %add3A_376 : i32
    "tpu.region"() ({
      %run_scoped3A = tpu.sem_alloc : memref<!tpu.dma_semaphore, #tpu.memory_space<semaphore_mem>>
      %dma_start3A = arith.constant 0 : i32
      %dma_start3A_759 = tpu.memref_slice %arg2[%add3A_377, %dma_start3A] : memref<64x100000xf32, #tpu.memory_space<hbm>> -> memref<1x100000xf32, #tpu.memory_space<hbm>>
      %dma_start3A_760 = tpu.memref_squeeze %dma_start3A_759 : memref<1x100000xf32, #tpu.memory_space<hbm>> -> memref<100000xf32, #tpu.memory_space<hbm>>
      %dma_start3A_761 = arith.constant 0 : i32
      %dma_start3A_762 = tpu.memref_slice %arg2[%add3A_377, %dma_start3A_761] : memref<64x100000xf32, #tpu.memory_space<hbm>> -> memref<1x100000xf32, #tpu.memory_space<hbm>>
      %dma_start3A_763 = tpu.memref_squeeze %dma_start3A_762 : memref<1x100000xf32, #tpu.memory_space<hbm>> -> memref<100000xf32, #tpu.memory_space<hbm>>
      tpu.enqueue_dma source(%dma_start3A_763 : memref<100000xf32, #tpu.memory_space<hbm>>) target(%arg5 : memref<100000xf32, #tpu.memory_space<vmem>>) target_semaphore(%run_scoped3A : memref<!tpu.dma_semaphore, #tpu.memory_space<semaphore_mem>>)
      %dma_wait3A = arith.constant 0 : i32
      %dma_wait3A_764 = tpu.memref_slice %arg2[%add3A_377, %dma_wait3A] : memref<64x100000xf32, #tpu.memory_space<hbm>> -> memref<1x100000xf32, #tpu.memory_space<hbm>>
      %dma_wait3A_765 = tpu.memref_squeeze %dma_wait3A_764 : memref<1x100000xf32, #tpu.memory_space<hbm>> -> memref<100000xf32, #tpu.memory_space<hbm>>
      %dma_wait3A_766 = arith.constant 0 : i32
      %dma_wait3A_767 = tpu.memref_slice %arg2[%add3A_377, %dma_wait3A_766] : memref<64x100000xf32, #tpu.memory_space<hbm>> -> memref<1x100000xf32, #tpu.memory_space<hbm>>
      %dma_wait3A_768 = tpu.memref_squeeze %dma_wait3A_767 : memref<1x100000xf32, #tpu.memory_space<hbm>> -> memref<100000xf32, #tpu.memory_space<hbm>>
      tpu.wait_dma2 semaphore(%run_scoped3A : memref<!tpu.dma_semaphore, #tpu.memory_space<semaphore_mem>>) src(%dma_wait3A_768 : memref<100000xf32, #tpu.memory_space<hbm>>) dst(%arg5 : memref<100000xf32, #tpu.memory_space<vmem>>)
      tpu.yield
    }) : () -> ()
    %parallel_loop3A_378 = arith.constant 0 : i32
    %parallel_loop3A_379 = arith.constant 1024 : i32
    %parallel_loop3A_380 = arith.constant 1 : i32
    scf.for %parallel_loop3A_759 = %parallel_loop3A_378 to %parallel_loop3A_379 step %parallel_loop3A_380  : i32 {
      %parallel_loop3A_760 = arith.constant 16 : i32
      %parallel_loop3A_761 = arith.muli %parallel_loop3A_759, %parallel_loop3A_760 : i32
      %parallel_loop3A_762 = arith.index_cast %parallel_loop3A_761 : i32 to index
      %parallel_loop3A_763 = tpu.vector_load %arg6[%parallel_loop3A_762] {strides = array<i32>} : memref<16384xf32, #tpu.memory_space<vmem>>, vector<16xf32>,
      tpu.vector_store %arg6[%parallel_loop3A_762], %broadcast_in_dim3A_4 {strides = array<i32>} : memref<16384xf32, #tpu.memory_space<vmem>>, vector<16xf32>,
    } {sc.loop_unroll_factor = 8 : i64, sc.parallel_access}
    %broadcast_in_dim3A_381 = arith.constant 0xFF800000 : f32
    %broadcast_in_dim3A_382 = vector.broadcast %broadcast_in_dim3A_381 : f32 to vector<16xf32>
    %broadcast_in_dim3A_383 = arith.constant 0 : i32
    %broadcast_in_dim3A_384 = vector.broadcast %broadcast_in_dim3A_383 : i32 to vector<16xi32>
    %parallel_loop3A_385 = arith.constant 0 : i32
    %parallel_loop3A_386 = arith.constant 6250 : i32
    %parallel_loop3A_387 = arith.constant 1 : i32
    %parallel_loop3A_388:2 = scf.for %parallel_loop3A_759 = %parallel_loop3A_385 to %parallel_loop3A_386 step %parallel_loop3A_387 iter_args(%parallel_loop3A_760 = %broadcast_in_dim3A_382, %parallel_loop3A_761 = %broadcast_in_dim3A_384) -> (vector<16xf32>, vector<16xi32>)  : i32 {
      %parallel_loop3A_762 = arith.constant 16 : i32
      %parallel_loop3A_763 = arith.muli %parallel_loop3A_759, %parallel_loop3A_762 : i32
      %parallel_loop3A_764 = arith.index_cast %parallel_loop3A_763 : i32 to index
      %parallel_loop3A_765 = tpu.vector_load %arg5[%parallel_loop3A_764] {strides = array<i32>} : memref<100000xf32, #tpu.memory_space<vmem>>, vector<16xf32>,
      %parallel_loop3A_766 = arith.constant 16 : i32
      %parallel_loop3A_767 = arith.muli %parallel_loop3A_759, %parallel_loop3A_766 : i32
      %parallel_loop3A_768 = vector.broadcast %parallel_loop3A_767 : i32 to vector<16xi32>
      %parallel_loop3A_769 = arith.addi %iota3A, %parallel_loop3A_768 : vector<16xi32>
      %parallel_loop3A_770 = arith.cmpf ogt, %parallel_loop3A_765, %parallel_loop3A_760 : vector<16xf32>
      %parallel_loop3A_771 = arith.select %parallel_loop3A_770, %parallel_loop3A_769, %parallel_loop3A_761 : vector<16xi1>, vector<16xi32>
      %parallel_loop3A_772 = arith.select %parallel_loop3A_770, %parallel_loop3A_765, %parallel_loop3A_760 : vector<16xi1>, vector<16xf32>
      scf.yield %parallel_loop3A_772, %parallel_loop3A_771 : vector<16xf32>, vector<16xi32>
    } {sc.loop_unroll_factor = 8 : i64, sc.parallel_access}
    %iota3A_389 = tpu.iota {dimensions = array<i32: 0>} : vector<16xi32>
    %xor3A_390 = arith.constant 8 : i32
    %xor3A_391 = vector.broadcast %xor3A_390 : i32 to vector<16xi32>
    %xor3A_392 = arith.xori %iota3A_389, %xor3A_391 : vector<16xi32>
    %lt3A_393 = arith.constant 0 : i32
    %lt3A_394 = vector.broadcast %lt3A_393 : i32 to vector<16xi32>
    %lt3A_395 = arith.cmpi slt, %xor3A_392, %lt3A_394 : vector<16xi32>
    %add3A_396 = arith.constant 16 : i32
    %add3A_397 = vector.broadcast %add3A_396 : i32 to vector<16xi32>
    %add3A_398 = arith.addi %xor3A_392, %add3A_397 : vector<16xi32>
    %select_n3A_399 = arith.select %lt3A_395, %add3A_398, %xor3A_392 : vector<16xi1>, vector<16xi32>
    %broadcast_in_dim3A_400 = vector.shape_cast %select_n3A_399 : vector<16xi32> to vector<16x1xi32>
    %gather3A_401 = vector.shape_cast %broadcast_in_dim3A_400 : vector<16x1xi32> to vector<16xi32>
    %gather3A_402 = tpu.dynamic_gather %parallel_loop3A_388#0[%gather3A_401] in [0] : vector<16xf32>, vector<16xi32> -> vector<16xf32>
    %max3A_403 = arith.maximumf %parallel_loop3A_388#0, %gather3A_402 : vector<16xf32>
    %xor3A_404 = arith.constant 4 : i32
    %xor3A_405 = vector.broadcast %xor3A_404 : i32 to vector<16xi32>
    %xor3A_406 = arith.xori %iota3A_389, %xor3A_405 : vector<16xi32>
    %lt3A_407 = arith.constant 0 : i32
    %lt3A_408 = vector.broadcast %lt3A_407 : i32 to vector<16xi32>
    %lt3A_409 = arith.cmpi slt, %xor3A_406, %lt3A_408 : vector<16xi32>
    %add3A_410 = arith.constant 16 : i32
    %add3A_411 = vector.broadcast %add3A_410 : i32 to vector<16xi32>
    %add3A_412 = arith.addi %xor3A_406, %add3A_411 : vector<16xi32>
    %select_n3A_413 = arith.select %lt3A_409, %add3A_412, %xor3A_406 : vector<16xi1>, vector<16xi32>
    %broadcast_in_dim3A_414 = vector.shape_cast %select_n3A_413 : vector<16xi32> to vector<16x1xi32>
    %gather3A_415 = vector.shape_cast %broadcast_in_dim3A_414 : vector<16x1xi32> to vector<16xi32>
    %gather3A_416 = tpu.dynamic_gather %max3A_403[%gather3A_415] in [0] : vector<16xf32>, vector<16xi32> -> vector<16xf32>
    %max3A_417 = arith.maximumf %max3A_403, %gather3A_416 : vector<16xf32>
    %xor3A_418 = arith.constant 2 : i32
    %xor3A_419 = vector.broadcast %xor3A_418 : i32 to vector<16xi32>
    %xor3A_420 = arith.xori %iota3A_389, %xor3A_419 : vector<16xi32>
    %lt3A_421 = arith.constant 0 : i32
    %lt3A_422 = vector.broadcast %lt3A_421 : i32 to vector<16xi32>
    %lt3A_423 = arith.cmpi slt, %xor3A_420, %lt3A_422 : vector<16xi32>
    %add3A_424 = arith.constant 16 : i32
    %add3A_425 = vector.broadcast %add3A_424 : i32 to vector<16xi32>
    %add3A_426 = arith.addi %xor3A_420, %add3A_425 : vector<16xi32>
    %select_n3A_427 = arith.select %lt3A_423, %add3A_426, %xor3A_420 : vector<16xi1>, vector<16xi32>
    %broadcast_in_dim3A_428 = vector.shape_cast %select_n3A_427 : vector<16xi32> to vector<16x1xi32>
    %gather3A_429 = vector.shape_cast %broadcast_in_dim3A_428 : vector<16x1xi32> to vector<16xi32>
    %gather3A_430 = tpu.dynamic_gather %max3A_417[%gather3A_429] in [0] : vector<16xf32>, vector<16xi32> -> vector<16xf32>
    %max3A_431 = arith.maximumf %max3A_417, %gather3A_430 : vector<16xf32>
    %xor3A_432 = arith.constant 1 : i32
    %xor3A_433 = vector.broadcast %xor3A_432 : i32 to vector<16xi32>
    %xor3A_434 = arith.xori %iota3A_389, %xor3A_433 : vector<16xi32>
    %lt3A_435 = arith.constant 0 : i32
    %lt3A_436 = vector.broadcast %lt3A_435 : i32 to vector<16xi32>
    %lt3A_437 = arith.cmpi slt, %xor3A_434, %lt3A_436 : vector<16xi32>
    %add3A_438 = arith.constant 16 : i32
    %add3A_439 = vector.broadcast %add3A_438 : i32 to vector<16xi32>
    %add3A_440 = arith.addi %xor3A_434, %add3A_439 : vector<16xi32>
    %select_n3A_441 = arith.select %lt3A_437, %add3A_440, %xor3A_434 : vector<16xi1>, vector<16xi32>
    %broadcast_in_dim3A_442 = vector.shape_cast %select_n3A_441 : vector<16xi32> to vector<16x1xi32>
    %gather3A_443 = vector.shape_cast %broadcast_in_dim3A_442 : vector<16x1xi32> to vector<16xi32>
    %gather3A_444 = tpu.dynamic_gather %max3A_431[%gather3A_443] in [0] : vector<16xf32>, vector<16xi32> -> vector<16xf32>
    %max3A_445 = arith.maximumf %max3A_431, %gather3A_444 : vector<16xf32>
    %eq3A_446 = arith.cmpf oeq, %parallel_loop3A_388#0, %max3A_445 : vector<16xf32>
    %jit3A_447 = arith.constant 2147483647 : i32
    %broadcast_in_dim3A_448 = vector.broadcast %jit3A_447 : i32 to vector<16xi32>
    %select_n3A_449 = arith.select %eq3A_446, %parallel_loop3A_388#1, %broadcast_in_dim3A_448 : vector<16xi1>, vector<16xi32>
    %iota3A_450 = tpu.iota {dimensions = array<i32: 0>} : vector<16xi32>
    %xor3A_451 = arith.constant 8 : i32
    %xor3A_452 = vector.broadcast %xor3A_451 : i32 to vector<16xi32>
    %xor3A_453 = arith.xori %iota3A_450, %xor3A_452 : vector<16xi32>
    %lt3A_454 = arith.constant 0 : i32
    %lt3A_455 = vector.broadcast %lt3A_454 : i32 to vector<16xi32>
    %lt3A_456 = arith.cmpi slt, %xor3A_453, %lt3A_455 : vector<16xi32>
    %add3A_457 = arith.constant 16 : i32
    %add3A_458 = vector.broadcast %add3A_457 : i32 to vector<16xi32>
    %add3A_459 = arith.addi %xor3A_453, %add3A_458 : vector<16xi32>
    %select_n3A_460 = arith.select %lt3A_456, %add3A_459, %xor3A_453 : vector<16xi1>, vector<16xi32>
    %broadcast_in_dim3A_461 = vector.shape_cast %select_n3A_460 : vector<16xi32> to vector<16x1xi32>
    %gather3A_462 = vector.shape_cast %broadcast_in_dim3A_461 : vector<16x1xi32> to vector<16xi32>
    %gather3A_463 = tpu.dynamic_gather %select_n3A_449[%gather3A_462] in [0] : vector<16xi32>, vector<16xi32> -> vector<16xi32>
    %min3A_464 = arith.minsi %select_n3A_449, %gather3A_463 : vector<16xi32>
    %xor3A_465 = arith.constant 4 : i32
    %xor3A_466 = vector.broadcast %xor3A_465 : i32 to vector<16xi32>
    %xor3A_467 = arith.xori %iota3A_450, %xor3A_466 : vector<16xi32>
    %lt3A_468 = arith.constant 0 : i32
    %lt3A_469 = vector.broadcast %lt3A_468 : i32 to vector<16xi32>
    %lt3A_470 = arith.cmpi slt, %xor3A_467, %lt3A_469 : vector<16xi32>
    %add3A_471 = arith.constant 16 : i32
    %add3A_472 = vector.broadcast %add3A_471 : i32 to vector<16xi32>
    %add3A_473 = arith.addi %xor3A_467, %add3A_472 : vector<16xi32>
    %select_n3A_474 = arith.select %lt3A_470, %add3A_473, %xor3A_467 : vector<16xi1>, vector<16xi32>
    %broadcast_in_dim3A_475 = vector.shape_cast %select_n3A_474 : vector<16xi32> to vector<16x1xi32>
    %gather3A_476 = vector.shape_cast %broadcast_in_dim3A_475 : vector<16x1xi32> to vector<16xi32>
    %gather3A_477 = tpu.dynamic_gather %min3A_464[%gather3A_476] in [0] : vector<16xi32>, vector<16xi32> -> vector<16xi32>
    %min3A_478 = arith.minsi %min3A_464, %gather3A_477 : vector<16xi32>
    %xor3A_479 = arith.constant 2 : i32
    %xor3A_480 = vector.broadcast %xor3A_479 : i32 to vector<16xi32>
    %xor3A_481 = arith.xori %iota3A_450, %xor3A_480 : vector<16xi32>
    %lt3A_482 = arith.constant 0 : i32
    %lt3A_483 = vector.broadcast %lt3A_482 : i32 to vector<16xi32>
    %lt3A_484 = arith.cmpi slt, %xor3A_481, %lt3A_483 : vector<16xi32>
    %add3A_485 = arith.constant 16 : i32
    %add3A_486 = vector.broadcast %add3A_485 : i32 to vector<16xi32>
    %add3A_487 = arith.addi %xor3A_481, %add3A_486 : vector<16xi32>
    %select_n3A_488 = arith.select %lt3A_484, %add3A_487, %xor3A_481 : vector<16xi1>, vector<16xi32>
    %broadcast_in_dim3A_489 = vector.shape_cast %select_n3A_488 : vector<16xi32> to vector<16x1xi32>
    %gather3A_490 = vector.shape_cast %broadcast_in_dim3A_489 : vector<16x1xi32> to vector<16xi32>
    %gather3A_491 = tpu.dynamic_gather %min3A_478[%gather3A_490] in [0] : vector<16xi32>, vector<16xi32> -> vector<16xi32>
    %min3A_492 = arith.minsi %min3A_478, %gather3A_491 : vector<16xi32>
    %xor3A_493 = arith.constant 1 : i32
    %xor3A_494 = vector.broadcast %xor3A_493 : i32 to vector<16xi32>
    %xor3A_495 = arith.xori %iota3A_450, %xor3A_494 : vector<16xi32>
    %lt3A_496 = arith.constant 0 : i32
    %lt3A_497 = vector.broadcast %lt3A_496 : i32 to vector<16xi32>
    %lt3A_498 = arith.cmpi slt, %xor3A_495, %lt3A_497 : vector<16xi32>
    %add3A_499 = arith.constant 16 : i32
    %add3A_500 = vector.broadcast %add3A_499 : i32 to vector<16xi32>
    %add3A_501 = arith.addi %xor3A_495, %add3A_500 : vector<16xi32>
    %select_n3A_502 = arith.select %lt3A_498, %add3A_501, %xor3A_495 : vector<16xi1>, vector<16xi32>
    %broadcast_in_dim3A_503 = vector.shape_cast %select_n3A_502 : vector<16xi32> to vector<16x1xi32>
    %gather3A_504 = vector.shape_cast %broadcast_in_dim3A_503 : vector<16x1xi32> to vector<16xi32>
    %gather3A_505 = tpu.dynamic_gather %min3A_492[%gather3A_504] in [0] : vector<16xi32>, vector<16xi32> -> vector<16xi32>
    %min3A_506 = arith.minsi %min3A_492, %gather3A_505 : vector<16xi32>
    %parallel_loop3A_507 = arith.constant 0 : i32
    %parallel_loop3A_508 = arith.constant 6250 : i32
    %parallel_loop3A_509 = arith.constant 1 : i32
    scf.for %parallel_loop3A_759 = %parallel_loop3A_507 to %parallel_loop3A_508 step %parallel_loop3A_509  : i32 {
      %parallel_loop3A_760 = arith.constant 16 : i32
      %parallel_loop3A_761 = arith.muli %parallel_loop3A_759, %parallel_loop3A_760 : i32
      %parallel_loop3A_762 = arith.index_cast %parallel_loop3A_761 : i32 to index
      %parallel_loop3A_763 = tpu.vector_load %arg5[%parallel_loop3A_762] {strides = array<i32>} : memref<100000xf32, #tpu.memory_space<vmem>>, vector<16xf32>,
      %parallel_loop3A_764 = arith.subf %max3A_445, %parallel_loop3A_763 : vector<16xf32>
      %parallel_loop3A_765 = arith.constant 6.400000e+01 : f32
      %parallel_loop3A_766 = vector.broadcast %parallel_loop3A_765 : f32 to vector<16xf32>
      %parallel_loop3A_767 = arith.mulf %parallel_loop3A_764, %parallel_loop3A_766 : vector<16xf32>
      %parallel_loop3A_768 = arith.constant 1.023000e+03 : f32
      %parallel_loop3A_769 = vector.broadcast %parallel_loop3A_768 : f32 to vector<16xf32>
      %parallel_loop3A_770 = arith.minimumf %parallel_loop3A_767, %parallel_loop3A_769 : vector<16xf32>
      %parallel_loop3A_771 = arith.fptosi %parallel_loop3A_770 : vector<16xf32> to vector<16xi32>
      %parallel_loop3A_772 = arith.addi %parallel_loop3A_771, %mul3A_3 : vector<16xi32>
      tpu.vector_store_idx %arg6[%parallel_loop3A_772], %broadcast_in_dim3A_6 {add = true} : memref<16384xf32, #tpu.memory_space<vmem>>[vector<16xi32>], vector<16xf32>,
    } {sc.loop_unroll_factor = 8 : i64, sc.parallel_access}
    %add3A_510 = arith.constant 5.000000e-01 : f32
    %add3A_511 = vector.broadcast %add3A_510 : f32 to vector<16xf32>
    %add3A_512 = arith.addf %convert_element_type3A, %add3A_511 : vector<16xf32>
    %mul3A_513 = arith.constant -1.562500e-02 : f32
    %mul3A_514 = vector.broadcast %mul3A_513 : f32 to vector<16xf32>
    %mul3A_515 = arith.mulf %add3A_512, %mul3A_514 : vector<16xf32>
    %parallel_loop3A_516 = arith.constant 0 : i32
    %parallel_loop3A_517 = arith.constant 64 : i32
    %parallel_loop3A_518 = arith.constant 1 : i32
    %parallel_loop3A_519:2 = scf.for %parallel_loop3A_759 = %parallel_loop3A_516 to %parallel_loop3A_517 step %parallel_loop3A_518 iter_args(%parallel_loop3A_760 = %broadcast_in_dim3A_4, %parallel_loop3A_761 = %mul3A_515) -> (vector<16xf32>, vector<16xf32>)  : i32 {
      %parallel_loop3A_762 = arith.constant 16 : i32
      %parallel_loop3A_763 = arith.muli %parallel_loop3A_759, %parallel_loop3A_762 : i32
      %parallel_loop3A_764 = arith.index_cast %parallel_loop3A_763 : i32 to index
      %parallel_loop3A_765 = tpu.vector_load %arg6[%parallel_loop3A_764] {strides = array<i32>} : memref<16384xf32, #tpu.memory_space<vmem>>, vector<16xf32>,
      %parallel_loop3A_766 = arith.constant 16 : i32
      %parallel_loop3A_767 = arith.muli %parallel_loop3A_759, %parallel_loop3A_766 : i32
      %parallel_loop3A_768 = arith.constant 1024 : i32
      %parallel_loop3A_769 = arith.addi %parallel_loop3A_768, %parallel_loop3A_767 : i32
      %parallel_loop3A_770 = arith.index_cast %parallel_loop3A_769 : i32 to index
      %parallel_loop3A_771 = tpu.vector_load %arg6[%parallel_loop3A_770] {strides = array<i32>} : memref<16384xf32, #tpu.memory_space<vmem>>, vector<16xf32>,
      %parallel_loop3A_772 = arith.addf %parallel_loop3A_765, %parallel_loop3A_771 : vector<16xf32>
      %parallel_loop3A_773 = arith.constant 16 : i32
      %parallel_loop3A_774 = arith.muli %parallel_loop3A_759, %parallel_loop3A_773 : i32
      %parallel_loop3A_775 = arith.constant 2048 : i32
      %parallel_loop3A_776 = arith.addi %parallel_loop3A_775, %parallel_loop3A_774 : i32
      %parallel_loop3A_777 = arith.index_cast %parallel_loop3A_776 : i32 to index
      %parallel_loop3A_778 = tpu.vector_load %arg6[%parallel_loop3A_777] {strides = array<i32>} : memref<16384xf32, #tpu.memory_space<vmem>>, vector<16xf32>,
      %parallel_loop3A_779 = arith.addf %parallel_loop3A_772, %parallel_loop3A_778 : vector<16xf32>
      %parallel_loop3A_780 = arith.constant 16 : i32
      %parallel_loop3A_781 = arith.muli %parallel_loop3A_759, %parallel_loop3A_780 : i32
      %parallel_loop3A_782 = arith.constant 3072 : i32
      %parallel_loop3A_783 = arith.addi %parallel_loop3A_782, %parallel_loop3A_781 : i32
      %parallel_loop3A_784 = arith.index_cast %parallel_loop3A_783 : i32 to index
      %parallel_loop3A_785 = tpu.vector_load %arg6[%parallel_loop3A_784] {strides = array<i32>} : memref<16384xf32, #tpu.memory_space<vmem>>, vector<16xf32>,
      %parallel_loop3A_786 = arith.addf %parallel_loop3A_779, %parallel_loop3A_785 : vector<16xf32>
      %parallel_loop3A_787 = arith.constant 16 : i32
      %parallel_loop3A_788 = arith.muli %parallel_loop3A_759, %parallel_loop3A_787 : i32
      %parallel_loop3A_789 = arith.constant 4096 : i32
      %parallel_loop3A_790 = arith.addi %parallel_loop3A_789, %parallel_loop3A_788 : i32
      %parallel_loop3A_791 = arith.index_cast %parallel_loop3A_790 : i32 to index
      %parallel_loop3A_792 = tpu.vector_load %arg6[%parallel_loop3A_791] {strides = array<i32>} : memref<16384xf32, #tpu.memory_space<vmem>>, vector<16xf32>,
      %parallel_loop3A_793 = arith.addf %parallel_loop3A_786, %parallel_loop3A_792 : vector<16xf32>
      %parallel_loop3A_794 = arith.constant 16 : i32
      %parallel_loop3A_795 = arith.muli %parallel_loop3A_759, %parallel_loop3A_794 : i32
      %parallel_loop3A_796 = arith.constant 5120 : i32
      %parallel_loop3A_797 = arith.addi %parallel_loop3A_796, %parallel_loop3A_795 : i32
      %parallel_loop3A_798 = arith.index_cast %parallel_loop3A_797 : i32 to index
      %parallel_loop3A_799 = tpu.vector_load %arg6[%parallel_loop3A_798] {strides = array<i32>} : memref<16384xf32, #tpu.memory_space<vmem>>, vector<16xf32>,
      %parallel_loop3A_800 = arith.addf %parallel_loop3A_793, %parallel_loop3A_799 : vector<16xf32>
      %parallel_loop3A_801 = arith.constant 16 : i32
      %parallel_loop3A_802 = arith.muli %parallel_loop3A_759, %parallel_loop3A_801 : i32
      %parallel_loop3A_803 = arith.constant 6144 : i32
      %parallel_loop3A_804 = arith.addi %parallel_loop3A_803, %parallel_loop3A_802 : i32
      %parallel_loop3A_805 = arith.index_cast %parallel_loop3A_804 : i32 to index
      %parallel_loop3A_806 = tpu.vector_load %arg6[%parallel_loop3A_805] {strides = array<i32>} : memref<16384xf32, #tpu.memory_space<vmem>>, vector<16xf32>,
      %parallel_loop3A_807 = arith.addf %parallel_loop3A_800, %parallel_loop3A_806 : vector<16xf32>
      %parallel_loop3A_808 = arith.constant 16 : i32
      %parallel_loop3A_809 = arith.muli %parallel_loop3A_759, %parallel_loop3A_808 : i32
      %parallel_loop3A_810 = arith.constant 7168 : i32
      %parallel_loop3A_811 = arith.addi %parallel_loop3A_810, %parallel_loop3A_809 : i32
      %parallel_loop3A_812 = arith.index_cast %parallel_loop3A_811 : i32 to index
      %parallel_loop3A_813 = tpu.vector_load %arg6[%parallel_loop3A_812] {strides = array<i32>} : memref<16384xf32, #tpu.memory_space<vmem>>, vector<16xf32>,
      %parallel_loop3A_814 = arith.addf %parallel_loop3A_807, %parallel_loop3A_813 : vector<16xf32>
      %parallel_loop3A_815 = arith.constant 16 : i32
      %parallel_loop3A_816 = arith.muli %parallel_loop3A_759, %parallel_loop3A_815 : i32
      %parallel_loop3A_817 = arith.constant 8192 : i32
      %parallel_loop3A_818 = arith.addi %parallel_loop3A_817, %parallel_loop3A_816 : i32
      %parallel_loop3A_819 = arith.index_cast %parallel_loop3A_818 : i32 to index
      %parallel_loop3A_820 = tpu.vector_load %arg6[%parallel_loop3A_819] {strides = array<i32>} : memref<16384xf32, #tpu.memory_space<vmem>>, vector<16xf32>,
      %parallel_loop3A_821 = arith.addf %parallel_loop3A_814, %parallel_loop3A_820 : vector<16xf32>
      %parallel_loop3A_822 = arith.constant 16 : i32
      %parallel_loop3A_823 = arith.muli %parallel_loop3A_759, %parallel_loop3A_822 : i32
      %parallel_loop3A_824 = arith.constant 9216 : i32
      %parallel_loop3A_825 = arith.addi %parallel_loop3A_824, %parallel_loop3A_823 : i32
      %parallel_loop3A_826 = arith.index_cast %parallel_loop3A_825 : i32 to index
      %parallel_loop3A_827 = tpu.vector_load %arg6[%parallel_loop3A_826] {strides = array<i32>} : memref<16384xf32, #tpu.memory_space<vmem>>, vector<16xf32>,
      %parallel_loop3A_828 = arith.addf %parallel_loop3A_821, %parallel_loop3A_827 : vector<16xf32>
      %parallel_loop3A_829 = arith.constant 16 : i32
      %parallel_loop3A_830 = arith.muli %parallel_loop3A_759, %parallel_loop3A_829 : i32
      %parallel_loop3A_831 = arith.constant 10240 : i32
      %parallel_loop3A_832 = arith.addi %parallel_loop3A_831, %parallel_loop3A_830 : i32
      %parallel_loop3A_833 = arith.index_cast %parallel_loop3A_832 : i32 to index
      %parallel_loop3A_834 = tpu.vector_load %arg6[%parallel_loop3A_833] {strides = array<i32>} : memref<16384xf32, #tpu.memory_space<vmem>>, vector<16xf32>,
      %parallel_loop3A_835 = arith.addf %parallel_loop3A_828, %parallel_loop3A_834 : vector<16xf32>
      %parallel_loop3A_836 = arith.constant 16 : i32
      %parallel_loop3A_837 = arith.muli %parallel_loop3A_759, %parallel_loop3A_836 : i32
      %parallel_loop3A_838 = arith.constant 11264 : i32
      %parallel_loop3A_839 = arith.addi %parallel_loop3A_838, %parallel_loop3A_837 : i32
      %parallel_loop3A_840 = arith.index_cast %parallel_loop3A_839 : i32 to index
      %parallel_loop3A_841 = tpu.vector_load %arg6[%parallel_loop3A_840] {strides = array<i32>} : memref<16384xf32, #tpu.memory_space<vmem>>, vector<16xf32>,
      %parallel_loop3A_842 = arith.addf %parallel_loop3A_835, %parallel_loop3A_841 : vector<16xf32>
      %parallel_loop3A_843 = arith.constant 16 : i32
      %parallel_loop3A_844 = arith.muli %parallel_loop3A_759, %parallel_loop3A_843 : i32
      %parallel_loop3A_845 = arith.constant 12288 : i32
      %parallel_loop3A_846 = arith.addi %parallel_loop3A_845, %parallel_loop3A_844 : i32
      %parallel_loop3A_847 = arith.index_cast %parallel_loop3A_846 : i32 to index
      %parallel_loop3A_848 = tpu.vector_load %arg6[%parallel_loop3A_847] {strides = array<i32>} : memref<16384xf32, #tpu.memory_space<vmem>>, vector<16xf32>,
      %parallel_loop3A_849 = arith.addf %parallel_loop3A_842, %parallel_loop3A_848 : vector<16xf32>
      %parallel_loop3A_850 = arith.constant 16 : i32
      %parallel_loop3A_851 = arith.muli %parallel_loop3A_759, %parallel_loop3A_850 : i32
      %parallel_loop3A_852 = arith.constant 13312 : i32
      %parallel_loop3A_853 = arith.addi %parallel_loop3A_852, %parallel_loop3A_851 : i32
      %parallel_loop3A_854 = arith.index_cast %parallel_loop3A_853 : i32 to index
      %parallel_loop3A_855 = tpu.vector_load %arg6[%parallel_loop3A_854] {strides = array<i32>} : memref<16384xf32, #tpu.memory_space<vmem>>, vector<16xf32>,
      %parallel_loop3A_856 = arith.addf %parallel_loop3A_849, %parallel_loop3A_855 : vector<16xf32>
      %parallel_loop3A_857 = arith.constant 16 : i32
      %parallel_loop3A_858 = arith.muli %parallel_loop3A_759, %parallel_loop3A_857 : i32
      %parallel_loop3A_859 = arith.constant 14336 : i32
      %parallel_loop3A_860 = arith.addi %parallel_loop3A_859, %parallel_loop3A_858 : i32
      %parallel_loop3A_861 = arith.index_cast %parallel_loop3A_860 : i32 to index
      %parallel_loop3A_862 = tpu.vector_load %arg6[%parallel_loop3A_861] {strides = array<i32>} : memref<16384xf32, #tpu.memory_space<vmem>>, vector<16xf32>,
      %parallel_loop3A_863 = arith.addf %parallel_loop3A_856, %parallel_loop3A_862 : vector<16xf32>
      %parallel_loop3A_864 = arith.constant 16 : i32
      %parallel_loop3A_865 = arith.muli %parallel_loop3A_759, %parallel_loop3A_864 : i32
      %parallel_loop3A_866 = arith.constant 15360 : i32
      %parallel_loop3A_867 = arith.addi %parallel_loop3A_866, %parallel_loop3A_865 : i32
      %parallel_loop3A_868 = arith.index_cast %parallel_loop3A_867 : i32 to index
      %parallel_loop3A_869 = tpu.vector_load %arg6[%parallel_loop3A_868] {strides = array<i32>} : memref<16384xf32, #tpu.memory_space<vmem>>, vector<16xf32>,
      %parallel_loop3A_870 = arith.addf %parallel_loop3A_863, %parallel_loop3A_869 : vector<16xf32>
      %parallel_loop3A_871 = math.exp %parallel_loop3A_761 : vector<16xf32>
      %parallel_loop3A_872 = arith.mulf %parallel_loop3A_870, %parallel_loop3A_871 : vector<16xf32>
      %parallel_loop3A_873 = arith.constant 16 : i32
      %parallel_loop3A_874 = arith.muli %parallel_loop3A_759, %parallel_loop3A_873 : i32
      %parallel_loop3A_875 = arith.index_cast %parallel_loop3A_874 : i32 to index
      %parallel_loop3A_876 = tpu.vector_load %arg7[%parallel_loop3A_875] {strides = array<i32>} : memref<1024xf32, #tpu.memory_space<vmem>>, vector<16xf32>,
      tpu.vector_store %arg7[%parallel_loop3A_875], %parallel_loop3A_872 {strides = array<i32>} : memref<1024xf32, #tpu.memory_space<vmem>>, vector<16xf32>,
      %parallel_loop3A_877 = arith.addf %parallel_loop3A_760, %parallel_loop3A_872 : vector<16xf32>
      %parallel_loop3A_878 = arith.constant 2.500000e-01 : f32
      %parallel_loop3A_879 = vector.broadcast %parallel_loop3A_878 : f32 to vector<16xf32>
      %parallel_loop3A_880 = arith.subf %parallel_loop3A_761, %parallel_loop3A_879 : vector<16xf32>
      scf.yield %parallel_loop3A_877, %parallel_loop3A_880 : vector<16xf32>, vector<16xf32>
    } {sc.loop_unroll_factor = 2 : i64, sc.parallel_access}
    %iota3A_520 = tpu.iota {dimensions = array<i32: 0>} : vector<16xi32>
    %xor3A_521 = arith.constant 8 : i32
    %xor3A_522 = vector.broadcast %xor3A_521 : i32 to vector<16xi32>
    %xor3A_523 = arith.xori %iota3A_520, %xor3A_522 : vector<16xi32>
    %lt3A_524 = arith.constant 0 : i32
    %lt3A_525 = vector.broadcast %lt3A_524 : i32 to vector<16xi32>
    %lt3A_526 = arith.cmpi slt, %xor3A_523, %lt3A_525 : vector<16xi32>
    %add3A_527 = arith.constant 16 : i32
    %add3A_528 = vector.broadcast %add3A_527 : i32 to vector<16xi32>
    %add3A_529 = arith.addi %xor3A_523, %add3A_528 : vector<16xi32>
    %select_n3A_530 = arith.select %lt3A_526, %add3A_529, %xor3A_523 : vector<16xi1>, vector<16xi32>
    %broadcast_in_dim3A_531 = vector.shape_cast %select_n3A_530 : vector<16xi32> to vector<16x1xi32>
    %gather3A_532 = vector.shape_cast %broadcast_in_dim3A_531 : vector<16x1xi32> to vector<16xi32>
    %gather3A_533 = tpu.dynamic_gather %parallel_loop3A_519#0[%gather3A_532] in [0] : vector<16xf32>, vector<16xi32> -> vector<16xf32>
    %add3A_534 = arith.addf %parallel_loop3A_519#0, %gather3A_533 : vector<16xf32>
    %xor3A_535 = arith.constant 4 : i32
    %xor3A_536 = vector.broadcast %xor3A_535 : i32 to vector<16xi32>
    %xor3A_537 = arith.xori %iota3A_520, %xor3A_536 : vector<16xi32>
    %lt3A_538 = arith.constant 0 : i32
    %lt3A_539 = vector.broadcast %lt3A_538 : i32 to vector<16xi32>
    %lt3A_540 = arith.cmpi slt, %xor3A_537, %lt3A_539 : vector<16xi32>
    %add3A_541 = arith.constant 16 : i32
    %add3A_542 = vector.broadcast %add3A_541 : i32 to vector<16xi32>
    %add3A_543 = arith.addi %xor3A_537, %add3A_542 : vector<16xi32>
    %select_n3A_544 = arith.select %lt3A_540, %add3A_543, %xor3A_537 : vector<16xi1>, vector<16xi32>
    %broadcast_in_dim3A_545 = vector.shape_cast %select_n3A_544 : vector<16xi32> to vector<16x1xi32>
    %gather3A_546 = vector.shape_cast %broadcast_in_dim3A_545 : vector<16x1xi32> to vector<16xi32>
    %gather3A_547 = tpu.dynamic_gather %add3A_534[%gather3A_546] in [0] : vector<16xf32>, vector<16xi32> -> vector<16xf32>
    %add3A_548 = arith.addf %add3A_534, %gather3A_547 : vector<16xf32>
    %xor3A_549 = arith.constant 2 : i32
    %xor3A_550 = vector.broadcast %xor3A_549 : i32 to vector<16xi32>
    %xor3A_551 = arith.xori %iota3A_520, %xor3A_550 : vector<16xi32>
    %lt3A_552 = arith.constant 0 : i32
    %lt3A_553 = vector.broadcast %lt3A_552 : i32 to vector<16xi32>
    %lt3A_554 = arith.cmpi slt, %xor3A_551, %lt3A_553 : vector<16xi32>
    %add3A_555 = arith.constant 16 : i32
    %add3A_556 = vector.broadcast %add3A_555 : i32 to vector<16xi32>
    %add3A_557 = arith.addi %xor3A_551, %add3A_556 : vector<16xi32>
    %select_n3A_558 = arith.select %lt3A_554, %add3A_557, %xor3A_551 : vector<16xi1>, vector<16xi32>
    %broadcast_in_dim3A_559 = vector.shape_cast %select_n3A_558 : vector<16xi32> to vector<16x1xi32>
    %gather3A_560 = vector.shape_cast %broadcast_in_dim3A_559 : vector<16x1xi32> to vector<16xi32>
    %gather3A_561 = tpu.dynamic_gather %add3A_548[%gather3A_560] in [0] : vector<16xf32>, vector<16xi32> -> vector<16xf32>
    %add3A_562 = arith.addf %add3A_548, %gather3A_561 : vector<16xf32>
    %xor3A_563 = arith.constant 1 : i32
    %xor3A_564 = vector.broadcast %xor3A_563 : i32 to vector<16xi32>
    %xor3A_565 = arith.xori %iota3A_520, %xor3A_564 : vector<16xi32>
    %lt3A_566 = arith.constant 0 : i32
    %lt3A_567 = vector.broadcast %lt3A_566 : i32 to vector<16xi32>
    %lt3A_568 = arith.cmpi slt, %xor3A_565, %lt3A_567 : vector<16xi32>
    %add3A_569 = arith.constant 16 : i32
    %add3A_570 = vector.broadcast %add3A_569 : i32 to vector<16xi32>
    %add3A_571 = arith.addi %xor3A_565, %add3A_570 : vector<16xi32>
    %select_n3A_572 = arith.select %lt3A_568, %add3A_571, %xor3A_565 : vector<16xi1>, vector<16xi32>
    %broadcast_in_dim3A_573 = vector.shape_cast %select_n3A_572 : vector<16xi32> to vector<16x1xi32>
    %gather3A_574 = vector.shape_cast %broadcast_in_dim3A_573 : vector<16x1xi32> to vector<16xi32>
    %gather3A_575 = tpu.dynamic_gather %add3A_562[%gather3A_574] in [0] : vector<16xf32>, vector<16xi32> -> vector<16xf32>
    %add3A_576 = arith.addf %add3A_562, %gather3A_575 : vector<16xf32>
    %mul3A_577 = arith.constant 0.949999988 : f32
    %mul3A_578 = vector.broadcast %mul3A_577 : f32 to vector<16xf32>
    %mul3A_579 = arith.mulf %mul3A_578, %add3A_576 : vector<16xf32>
    %broadcast_in_dim3A_580 = arith.constant 15 : i32
    %broadcast_in_dim3A_581 = vector.broadcast %broadcast_in_dim3A_580 : i32 to vector<16xi32>
    %parallel_loop3A_582 = arith.constant 0 : i32
    %parallel_loop3A_583 = arith.constant 64 : i32
    %parallel_loop3A_584 = arith.constant 1 : i32
    %parallel_loop3A_585:4 = scf.for %parallel_loop3A_759 = %parallel_loop3A_582 to %parallel_loop3A_583 step %parallel_loop3A_584 iter_args(%parallel_loop3A_760 = %broadcast_in_dim3A_4, %parallel_loop3A_761 = %broadcast_in_dim3A_4, %parallel_loop3A_762 = %broadcast_in_dim3A_4, %parallel_loop3A_763 = %mul3A_515) -> (vector<16xf32>, vector<16xf32>, vector<16xf32>, vector<16xf32>)  : i32 {
      %parallel_loop3A_764 = arith.constant 16 : i32
      %parallel_loop3A_765 = arith.muli %parallel_loop3A_759, %parallel_loop3A_764 : i32
      %parallel_loop3A_766 = arith.index_cast %parallel_loop3A_765 : i32 to index
      %parallel_loop3A_767 = tpu.vector_load %arg7[%parallel_loop3A_766] {strides = array<i32>} : memref<1024xf32, #tpu.memory_space<vmem>>, vector<16xf32>,
      %parallel_loop3A_768 = arith.constant true
      %parallel_loop3A_769 = vector.broadcast %parallel_loop3A_768 : i1 to vector<16xi1>
      %parallel_loop3A_770 = tpu.scan <sum>, %parallel_loop3A_767 masked %parallel_loop3A_769 : vector<16xf32>, vector<16xi1> -> vector<16xf32>
      %parallel_loop3A_771 = arith.subf %parallel_loop3A_770, %parallel_loop3A_767 : vector<16xf32>
      %parallel_loop3A_772 = arith.addf %parallel_loop3A_771, %parallel_loop3A_760 : vector<16xf32>
      %parallel_loop3A_773 = arith.cmpf ole, %parallel_loop3A_772, %mul3A_579 : vector<16xf32>
      %parallel_loop3A_774 = arith.constant 0.000000e+00 : f32
      %parallel_loop3A_775 = vector.broadcast %parallel_loop3A_774 : f32 to vector<16xf32>
      %parallel_loop3A_776 = arith.select %parallel_loop3A_773, %parallel_loop3A_767, %parallel_loop3A_775 : vector<16xi1>, vector<16xf32>
      %parallel_loop3A_777 = arith.constant 0 : i32
      %parallel_loop3A_778 = vector.broadcast %parallel_loop3A_777 : i32 to vector<16xi32>
      %parallel_loop3A_779 = arith.cmpi slt, %broadcast_in_dim3A_581, %parallel_loop3A_778 : vector<16xi32>
      %parallel_loop3A_780 = arith.constant 16 : i32
      %parallel_loop3A_781 = vector.broadcast %parallel_loop3A_780 : i32 to vector<16xi32>
      %parallel_loop3A_782 = arith.addi %broadcast_in_dim3A_581, %parallel_loop3A_781 : vector<16xi32>
      %parallel_loop3A_783 = arith.select %parallel_loop3A_779, %parallel_loop3A_782, %broadcast_in_dim3A_581 : vector<16xi1>, vector<16xi32>
      %parallel_loop3A_784 = vector.shape_cast %parallel_loop3A_783 : vector<16xi32> to vector<16x1xi32>
      %parallel_loop3A_785 = vector.shape_cast %parallel_loop3A_784 : vector<16x1xi32> to vector<16xi32>
      %parallel_loop3A_786 = tpu.dynamic_gather %parallel_loop3A_770[%parallel_loop3A_785] in [0] : vector<16xf32>, vector<16xi32> -> vector<16xf32>
      %parallel_loop3A_787 = arith.addf %parallel_loop3A_760, %parallel_loop3A_786 : vector<16xf32>
      %parallel_loop3A_788 = arith.addf %parallel_loop3A_761, %parallel_loop3A_776 : vector<16xf32>
      %parallel_loop3A_789 = arith.mulf %parallel_loop3A_776, %parallel_loop3A_763 : vector<16xf32>
      %parallel_loop3A_790 = arith.addf %parallel_loop3A_762, %parallel_loop3A_789 : vector<16xf32>
      %parallel_loop3A_791 = arith.constant 2.500000e-01 : f32
      %parallel_loop3A_792 = vector.broadcast %parallel_loop3A_791 : f32 to vector<16xf32>
      %parallel_loop3A_793 = arith.subf %parallel_loop3A_763, %parallel_loop3A_792 : vector<16xf32>
      scf.yield %parallel_loop3A_787, %parallel_loop3A_788, %parallel_loop3A_790, %parallel_loop3A_793 : vector<16xf32>, vector<16xf32>, vector<16xf32>, vector<16xf32>
    } {sc.loop_unroll_factor = 1 : i64, sc.parallel_access}
    %iota3A_586 = tpu.iota {dimensions = array<i32: 0>} : vector<16xi32>
    %xor3A_587 = arith.constant 8 : i32
    %xor3A_588 = vector.broadcast %xor3A_587 : i32 to vector<16xi32>
    %xor3A_589 = arith.xori %iota3A_586, %xor3A_588 : vector<16xi32>
    %lt3A_590 = arith.constant 0 : i32
    %lt3A_591 = vector.broadcast %lt3A_590 : i32 to vector<16xi32>
    %lt3A_592 = arith.cmpi slt, %xor3A_589, %lt3A_591 : vector<16xi32>
    %add3A_593 = arith.constant 16 : i32
    %add3A_594 = vector.broadcast %add3A_593 : i32 to vector<16xi32>
    %add3A_595 = arith.addi %xor3A_589, %add3A_594 : vector<16xi32>
    %select_n3A_596 = arith.select %lt3A_592, %add3A_595, %xor3A_589 : vector<16xi1>, vector<16xi32>
    %broadcast_in_dim3A_597 = vector.shape_cast %select_n3A_596 : vector<16xi32> to vector<16x1xi32>
    %gather3A_598 = vector.shape_cast %broadcast_in_dim3A_597 : vector<16x1xi32> to vector<16xi32>
    %gather3A_599 = tpu.dynamic_gather %parallel_loop3A_585#1[%gather3A_598] in [0] : vector<16xf32>, vector<16xi32> -> vector<16xf32>
    %add3A_600 = arith.addf %parallel_loop3A_585#1, %gather3A_599 : vector<16xf32>
    %xor3A_601 = arith.constant 4 : i32
    %xor3A_602 = vector.broadcast %xor3A_601 : i32 to vector<16xi32>
    %xor3A_603 = arith.xori %iota3A_586, %xor3A_602 : vector<16xi32>
    %lt3A_604 = arith.constant 0 : i32
    %lt3A_605 = vector.broadcast %lt3A_604 : i32 to vector<16xi32>
    %lt3A_606 = arith.cmpi slt, %xor3A_603, %lt3A_605 : vector<16xi32>
    %add3A_607 = arith.constant 16 : i32
    %add3A_608 = vector.broadcast %add3A_607 : i32 to vector<16xi32>
    %add3A_609 = arith.addi %xor3A_603, %add3A_608 : vector<16xi32>
    %select_n3A_610 = arith.select %lt3A_606, %add3A_609, %xor3A_603 : vector<16xi1>, vector<16xi32>
    %broadcast_in_dim3A_611 = vector.shape_cast %select_n3A_610 : vector<16xi32> to vector<16x1xi32>
    %gather3A_612 = vector.shape_cast %broadcast_in_dim3A_611 : vector<16x1xi32> to vector<16xi32>
    %gather3A_613 = tpu.dynamic_gather %add3A_600[%gather3A_612] in [0] : vector<16xf32>, vector<16xi32> -> vector<16xf32>
    %add3A_614 = arith.addf %add3A_600, %gather3A_613 : vector<16xf32>
    %xor3A_615 = arith.constant 2 : i32
    %xor3A_616 = vector.broadcast %xor3A_615 : i32 to vector<16xi32>
    %xor3A_617 = arith.xori %iota3A_586, %xor3A_616 : vector<16xi32>
    %lt3A_618 = arith.constant 0 : i32
    %lt3A_619 = vector.broadcast %lt3A_618 : i32 to vector<16xi32>
    %lt3A_620 = arith.cmpi slt, %xor3A_617, %lt3A_619 : vector<16xi32>
    %add3A_621 = arith.constant 16 : i32
    %add3A_622 = vector.broadcast %add3A_621 : i32 to vector<16xi32>
    %add3A_623 = arith.addi %xor3A_617, %add3A_622 : vector<16xi32>
    %select_n3A_624 = arith.select %lt3A_620, %add3A_623, %xor3A_617 : vector<16xi1>, vector<16xi32>
    %broadcast_in_dim3A_625 = vector.shape_cast %select_n3A_624 : vector<16xi32> to vector<16x1xi32>
    %gather3A_626 = vector.shape_cast %broadcast_in_dim3A_625 : vector<16x1xi32> to vector<16xi32>
    %gather3A_627 = tpu.dynamic_gather %add3A_614[%gather3A_626] in [0] : vector<16xf32>, vector<16xi32> -> vector<16xf32>
    %add3A_628 = arith.addf %add3A_614, %gather3A_627 : vector<16xf32>
    %xor3A_629 = arith.constant 1 : i32
    %xor3A_630 = vector.broadcast %xor3A_629 : i32 to vector<16xi32>
    %xor3A_631 = arith.xori %iota3A_586, %xor3A_630 : vector<16xi32>
    %lt3A_632 = arith.constant 0 : i32
    %lt3A_633 = vector.broadcast %lt3A_632 : i32 to vector<16xi32>
    %lt3A_634 = arith.cmpi slt, %xor3A_631, %lt3A_633 : vector<16xi32>
    %add3A_635 = arith.constant 16 : i32
    %add3A_636 = vector.broadcast %add3A_635 : i32 to vector<16xi32>
    %add3A_637 = arith.addi %xor3A_631, %add3A_636 : vector<16xi32>
    %select_n3A_638 = arith.select %lt3A_634, %add3A_637, %xor3A_631 : vector<16xi1>, vector<16xi32>
    %broadcast_in_dim3A_639 = vector.shape_cast %select_n3A_638 : vector<16xi32> to vector<16x1xi32>
    %gather3A_640 = vector.shape_cast %broadcast_in_dim3A_639 : vector<16x1xi32> to vector<16xi32>
    %gather3A_641 = tpu.dynamic_gather %add3A_628[%gather3A_640] in [0] : vector<16xf32>, vector<16xi32> -> vector<16xf32>
    %add3A_642 = arith.addf %add3A_628, %gather3A_641 : vector<16xf32>
    %iota3A_643 = tpu.iota {dimensions = array<i32: 0>} : vector<16xi32>
    %xor3A_644 = arith.constant 8 : i32
    %xor3A_645 = vector.broadcast %xor3A_644 : i32 to vector<16xi32>
    %xor3A_646 = arith.xori %iota3A_643, %xor3A_645 : vector<16xi32>
    %lt3A_647 = arith.constant 0 : i32
    %lt3A_648 = vector.broadcast %lt3A_647 : i32 to vector<16xi32>
    %lt3A_649 = arith.cmpi slt, %xor3A_646, %lt3A_648 : vector<16xi32>
    %add3A_650 = arith.constant 16 : i32
    %add3A_651 = vector.broadcast %add3A_650 : i32 to vector<16xi32>
    %add3A_652 = arith.addi %xor3A_646, %add3A_651 : vector<16xi32>
    %select_n3A_653 = arith.select %lt3A_649, %add3A_652, %xor3A_646 : vector<16xi1>, vector<16xi32>
    %broadcast_in_dim3A_654 = vector.shape_cast %select_n3A_653 : vector<16xi32> to vector<16x1xi32>
    %gather3A_655 = vector.shape_cast %broadcast_in_dim3A_654 : vector<16x1xi32> to vector<16xi32>
    %gather3A_656 = tpu.dynamic_gather %parallel_loop3A_585#2[%gather3A_655] in [0] : vector<16xf32>, vector<16xi32> -> vector<16xf32>
    %add3A_657 = arith.addf %parallel_loop3A_585#2, %gather3A_656 : vector<16xf32>
    %xor3A_658 = arith.constant 4 : i32
    %xor3A_659 = vector.broadcast %xor3A_658 : i32 to vector<16xi32>
    %xor3A_660 = arith.xori %iota3A_643, %xor3A_659 : vector<16xi32>
    %lt3A_661 = arith.constant 0 : i32
    %lt3A_662 = vector.broadcast %lt3A_661 : i32 to vector<16xi32>
    %lt3A_663 = arith.cmpi slt, %xor3A_660, %lt3A_662 : vector<16xi32>
    %add3A_664 = arith.constant 16 : i32
    %add3A_665 = vector.broadcast %add3A_664 : i32 to vector<16xi32>
    %add3A_666 = arith.addi %xor3A_660, %add3A_665 : vector<16xi32>
    %select_n3A_667 = arith.select %lt3A_663, %add3A_666, %xor3A_660 : vector<16xi1>, vector<16xi32>
    %broadcast_in_dim3A_668 = vector.shape_cast %select_n3A_667 : vector<16xi32> to vector<16x1xi32>
    %gather3A_669 = vector.shape_cast %broadcast_in_dim3A_668 : vector<16x1xi32> to vector<16xi32>
    %gather3A_670 = tpu.dynamic_gather %add3A_657[%gather3A_669] in [0] : vector<16xf32>, vector<16xi32> -> vector<16xf32>
    %add3A_671 = arith.addf %add3A_657, %gather3A_670 : vector<16xf32>
    %xor3A_672 = arith.constant 2 : i32
    %xor3A_673 = vector.broadcast %xor3A_672 : i32 to vector<16xi32>
    %xor3A_674 = arith.xori %iota3A_643, %xor3A_673 : vector<16xi32>
    %lt3A_675 = arith.constant 0 : i32
    %lt3A_676 = vector.broadcast %lt3A_675 : i32 to vector<16xi32>
    %lt3A_677 = arith.cmpi slt, %xor3A_674, %lt3A_676 : vector<16xi32>
    %add3A_678 = arith.constant 16 : i32
    %add3A_679 = vector.broadcast %add3A_678 : i32 to vector<16xi32>
    %add3A_680 = arith.addi %xor3A_674, %add3A_679 : vector<16xi32>
    %select_n3A_681 = arith.select %lt3A_677, %add3A_680, %xor3A_674 : vector<16xi1>, vector<16xi32>
    %broadcast_in_dim3A_682 = vector.shape_cast %select_n3A_681 : vector<16xi32> to vector<16x1xi32>
    %gather3A_683 = vector.shape_cast %broadcast_in_dim3A_682 : vector<16x1xi32> to vector<16xi32>
    %gather3A_684 = tpu.dynamic_gather %add3A_671[%gather3A_683] in [0] : vector<16xf32>, vector<16xi32> -> vector<16xf32>
    %add3A_685 = arith.addf %add3A_671, %gather3A_684 : vector<16xf32>
    %xor3A_686 = arith.constant 1 : i32
    %xor3A_687 = vector.broadcast %xor3A_686 : i32 to vector<16xi32>
    %xor3A_688 = arith.xori %iota3A_643, %xor3A_687 : vector<16xi32>
    %lt3A_689 = arith.constant 0 : i32
    %lt3A_690 = vector.broadcast %lt3A_689 : i32 to vector<16xi32>
    %lt3A_691 = arith.cmpi slt, %xor3A_688, %lt3A_690 : vector<16xi32>
    %add3A_692 = arith.constant 16 : i32
    %add3A_693 = vector.broadcast %add3A_692 : i32 to vector<16xi32>
    %add3A_694 = arith.addi %xor3A_688, %add3A_693 : vector<16xi32>
    %select_n3A_695 = arith.select %lt3A_691, %add3A_694, %xor3A_688 : vector<16xi1>, vector<16xi32>
    %broadcast_in_dim3A_696 = vector.shape_cast %select_n3A_695 : vector<16xi32> to vector<16x1xi32>
    %gather3A_697 = vector.shape_cast %broadcast_in_dim3A_696 : vector<16x1xi32> to vector<16xi32>
    %gather3A_698 = tpu.dynamic_gather %add3A_685[%gather3A_697] in [0] : vector<16xf32>, vector<16xi32> -> vector<16xf32>
    %add3A_699 = arith.addf %add3A_685, %gather3A_698 : vector<16xf32>
    %bitcast3A_700 = vector.bitcast %add3A_642 : vector<16xf32> to vector<16xi32>
    %shift_right_logical3A_701 = arith.constant 23 : i32
    %shift_right_logical3A_702 = vector.broadcast %shift_right_logical3A_701 : i32 to vector<16xi32>
    %shift_right_logical3A_703 = arith.shrui %bitcast3A_700, %shift_right_logical3A_702 : vector<16xi32>
    %bitcast3A_704 = vector.bitcast %shift_right_logical3A_703 : vector<16xi32> to vector<16xi32>
    %sub3A_705 = arith.constant 127 : i32
    %sub3A_706 = vector.broadcast %sub3A_705 : i32 to vector<16xi32>
    %sub3A_707 = arith.subi %bitcast3A_704, %sub3A_706 : vector<16xi32>
    %and3A_708 = arith.constant 8388607 : i32
    %and3A_709 = vector.broadcast %and3A_708 : i32 to vector<16xi32>
    %and3A_710 = arith.andi %bitcast3A_700, %and3A_709 : vector<16xi32>
    %or3A_711 = arith.constant 1065353216 : i32
    %or3A_712 = vector.broadcast %or3A_711 : i32 to vector<16xi32>
    %or3A_713 = arith.ori %and3A_710, %or3A_712 : vector<16xi32>
    %bitcast3A_714 = vector.bitcast %or3A_713 : vector<16xi32> to vector<16xf32>
    %convert_element_type3A_715 = arith.sitofp %sub3A_707 : vector<16xi32> to vector<16xf32>
    %mul3A_716 = arith.constant 0.693147182 : f32
    %mul3A_717 = vector.broadcast %mul3A_716 : f32 to vector<16xf32>
    %mul3A_718 = arith.mulf %convert_element_type3A_715, %mul3A_717 : vector<16xf32>
    %sub3A_719 = arith.constant 1.000000e+00 : f32
    %sub3A_720 = vector.broadcast %sub3A_719 : f32 to vector<16xf32>
    %sub3A_721 = arith.subf %bitcast3A_714, %sub3A_720 : vector<16xf32>
    %mul3A_722 = arith.constant 0.693147182 : f32
    %mul3A_723 = vector.broadcast %mul3A_722 : f32 to vector<16xf32>
    %mul3A_724 = arith.mulf %sub3A_721, %mul3A_723 : vector<16xf32>
    %add3A_725 = arith.addf %mul3A_718, %mul3A_724 : vector<16xf32>
    %neg3A_726 = arith.constant 0.000000e+00 : f32
    %neg3A_727 = vector.broadcast %neg3A_726 : f32 to vector<16xf32>
    %neg3A_728 = arith.subf %neg3A_727, %add3A_725 : vector<16xf32>
    %exp3A_729 = math.exp %neg3A_728 : vector<16xf32>
    %mul3A_730 = arith.mulf %add3A_642, %exp3A_729 : vector<16xf32>
    %add3A_731 = arith.addf %add3A_725, %mul3A_730 : vector<16xf32>
    %sub3A_732 = arith.constant 1.000000e+00 : f32
    %sub3A_733 = vector.broadcast %sub3A_732 : f32 to vector<16xf32>
    %sub3A_734 = arith.subf %add3A_731, %sub3A_733 : vector<16xf32>
    %neg3A_735 = arith.constant 0.000000e+00 : f32
    %neg3A_736 = vector.broadcast %neg3A_735 : f32 to vector<16xf32>
    %neg3A_737 = arith.subf %neg3A_736, %sub3A_734 : vector<16xf32>
    %exp3A_738 = math.exp %neg3A_737 : vector<16xf32>
    %mul3A_739 = arith.mulf %add3A_642, %exp3A_738 : vector<16xf32>
    %add3A_740 = arith.addf %sub3A_734, %mul3A_739 : vector<16xf32>
    %sub3A_741 = arith.constant 1.000000e+00 : f32
    %sub3A_742 = vector.broadcast %sub3A_741 : f32 to vector<16xf32>
    %sub3A_743 = arith.subf %add3A_740, %sub3A_742 : vector<16xf32>
    %neg3A_744 = arith.constant 0.000000e+00 : f32
    %neg3A_745 = vector.broadcast %neg3A_744 : f32 to vector<16xf32>
    %neg3A_746 = arith.subf %neg3A_745, %sub3A_743 : vector<16xf32>
    %exp3A_747 = math.exp %neg3A_746 : vector<16xf32>
    %mul3A_748 = arith.mulf %add3A_642, %exp3A_747 : vector<16xf32>
    %add3A_749 = arith.addf %sub3A_743, %mul3A_748 : vector<16xf32>
    %sub3A_750 = arith.constant 1.000000e+00 : f32
    %sub3A_751 = vector.broadcast %sub3A_750 : f32 to vector<16xf32>
    %sub3A_752 = arith.subf %add3A_749, %sub3A_751 : vector<16xf32>
    %div3A_753 = arith.divf %add3A_699, %add3A_642 : vector<16xf32>
    %sub3A_754 = arith.subf %div3A_753, %sub3A_752 : vector<16xf32>
    %swap3A_755 = arith.constant 0 : index
    %swap3A_756 = tpu.vector_load %arg9[%swap3A_755] {strides = array<i32>} : memref<16xf32, #tpu.memory_space<vmem>>, vector<16xf32>,
    tpu.vector_store %arg9[%swap3A_755], %sub3A_754 {strides = array<i32>} : memref<16xf32, #tpu.memory_space<vmem>>, vector<16xf32>,
    "tpu.region"() ({
      %run_scoped3A = tpu.sem_alloc : memref<!tpu.dma_semaphore, #tpu.memory_space<semaphore_mem>>
      %dma_start3A = arith.constant 0 : i32
      %dma_start3A_759 = tpu.memref_slice %arg3[%add3A_377, %dma_start3A] : memref<64x16xf32, #tpu.memory_space<hbm>> -> memref<1x16xf32, #tpu.memory_space<hbm>>
      %dma_start3A_760 = tpu.memref_squeeze %dma_start3A_759 : memref<1x16xf32, #tpu.memory_space<hbm>> -> memref<16xf32, #tpu.memory_space<hbm>>
      %dma_start3A_761 = arith.constant 0 : i32
      %dma_start3A_762 = tpu.memref_slice %arg3[%add3A_377, %dma_start3A_761] : memref<64x16xf32, #tpu.memory_space<hbm>> -> memref<1x16xf32, #tpu.memory_space<hbm>>
      %dma_start3A_763 = tpu.memref_squeeze %dma_start3A_762 : memref<1x16xf32, #tpu.memory_space<hbm>> -> memref<16xf32, #tpu.memory_space<hbm>>
      tpu.enqueue_dma source(%arg9 : memref<16xf32, #tpu.memory_space<vmem>>) target(%dma_start3A_763 : memref<16xf32, #tpu.memory_space<hbm>>) target_semaphore(%run_scoped3A : memref<!tpu.dma_semaphore, #tpu.memory_space<semaphore_mem>>)
      %dma_wait3A = arith.constant 0 : i32
      %dma_wait3A_764 = tpu.memref_slice %arg3[%add3A_377, %dma_wait3A] : memref<64x16xf32, #tpu.memory_space<hbm>> -> memref<1x16xf32, #tpu.memory_space<hbm>>
      %dma_wait3A_765 = tpu.memref_squeeze %dma_wait3A_764 : memref<1x16xf32, #tpu.memory_space<hbm>> -> memref<16xf32, #tpu.memory_space<hbm>>
      %dma_wait3A_766 = arith.constant 0 : i32
      %dma_wait3A_767 = tpu.memref_slice %arg3[%add3A_377, %dma_wait3A_766] : memref<64x16xf32, #tpu.memory_space<hbm>> -> memref<1x16xf32, #tpu.memory_space<hbm>>
      %dma_wait3A_768 = tpu.memref_squeeze %dma_wait3A_767 : memref<1x16xf32, #tpu.memory_space<hbm>> -> memref<16xf32, #tpu.memory_space<hbm>>
      tpu.wait_dma2 semaphore(%run_scoped3A : memref<!tpu.dma_semaphore, #tpu.memory_space<semaphore_mem>>) src(%arg9 : memref<16xf32, #tpu.memory_space<vmem>>) dst(%dma_wait3A_768 : memref<16xf32, #tpu.memory_space<hbm>>)
      tpu.yield
    }) : () -> ()
    %swap3A_757 = arith.constant 0 : index
    %swap3A_758 = tpu.vector_load %arg8[%swap3A_757] {strides = array<i32>} : memref<16xi32, #tpu.memory_space<vmem>>, vector<16xi32>,
    tpu.vector_store %arg8[%swap3A_757], %min3A_506 {strides = array<i32>} : memref<16xi32, #tpu.memory_space<vmem>>, vector<16xi32>,
    "tpu.region"() ({
      %run_scoped3A = tpu.sem_alloc : memref<!tpu.dma_semaphore, #tpu.memory_space<semaphore_mem>>
      %dma_start3A = arith.constant 0 : i32
      %dma_start3A_759 = tpu.memref_slice %arg4[%add3A_377, %dma_start3A] : memref<64x16xi32, #tpu.memory_space<hbm>> -> memref<1x16xi32, #tpu.memory_space<hbm>>
      %dma_start3A_760 = tpu.memref_squeeze %dma_start3A_759 : memref<1x16xi32, #tpu.memory_space<hbm>> -> memref<16xi32, #tpu.memory_space<hbm>>
      %dma_start3A_761 = arith.constant 0 : i32
      %dma_start3A_762 = tpu.memref_slice %arg4[%add3A_377, %dma_start3A_761] : memref<64x16xi32, #tpu.memory_space<hbm>> -> memref<1x16xi32, #tpu.memory_space<hbm>>
      %dma_start3A_763 = tpu.memref_squeeze %dma_start3A_762 : memref<1x16xi32, #tpu.memory_space<hbm>> -> memref<16xi32, #tpu.memory_space<hbm>>
      tpu.enqueue_dma source(%arg8 : memref<16xi32, #tpu.memory_space<vmem>>) target(%dma_start3A_763 : memref<16xi32, #tpu.memory_space<hbm>>) target_semaphore(%run_scoped3A : memref<!tpu.dma_semaphore, #tpu.memory_space<semaphore_mem>>)
      %dma_wait3A = arith.constant 0 : i32
      %dma_wait3A_764 = tpu.memref_slice %arg4[%add3A_377, %dma_wait3A] : memref<64x16xi32, #tpu.memory_space<hbm>> -> memref<1x16xi32, #tpu.memory_space<hbm>>
      %dma_wait3A_765 = tpu.memref_squeeze %dma_wait3A_764 : memref<1x16xi32, #tpu.memory_space<hbm>> -> memref<16xi32, #tpu.memory_space<hbm>>
      %dma_wait3A_766 = arith.constant 0 : i32
      %dma_wait3A_767 = tpu.memref_slice %arg4[%add3A_377, %dma_wait3A_766] : memref<64x16xi32, #tpu.memory_space<hbm>> -> memref<1x16xi32, #tpu.memory_space<hbm>>
      %dma_wait3A_768 = tpu.memref_squeeze %dma_wait3A_767 : memref<1x16xi32, #tpu.memory_space<hbm>> -> memref<16xi32, #tpu.memory_space<hbm>>
      tpu.wait_dma2 semaphore(%run_scoped3A : memref<!tpu.dma_semaphore, #tpu.memory_space<semaphore_mem>>) src(%arg8 : memref<16xi32, #tpu.memory_space<vmem>>) dst(%dma_wait3A_768 : memref<16xi32, #tpu.memory_space<hbm>>)
      tpu.yield
    }) : () -> ()
    return
  }
}

</mosaic_0001>

<sc_bundles>
// kernel: kernel.3.cloned.1.call-start
scs
__scs_entry_jumppad:
0x0: {  	(pc) =	sbr.rel $0x88, $3  }
0x1: {  	(tag) =	ssettag $0x0;
	lr =	simm.s32 $0x1  }
0x2: {  	[smem:$0x3FA0] =	sst lr;
	_ =	strace $0xD0000000  }
0x3: {  	_ = 	snop  }
0x4: {  	_ = 	snop  }
0x5: {  	_ = 	snop  }
0x6: {  	_ = 	snop  }
0x7: {  	_ = 	snop  }
__scs_overlays_trampoline_lowered:
0x8: {  	[smem:$0x3FAF] =	sst s0  }
0x9: {  	[smem:$0x3FB0] =	sst s1  }
0xa: {  	[smem:$0x3FB1] =	sst s2  }
0xb: {  	[smem:$0x3FB2] =	sst s3  }
0xc: {  	[smem:$0x3FB3] =	sst s4  }
0xd: {  	[smem:$0x3FB4] =	sst s5  }
0xe: {  	[smem:$0x3FB5] =	sst s6  }
0xf: {  	[smem:$0x3FB6] =	sst s7  }
0x10: {  	[smem:$0x3FB7] =	sst s8  }
0x11: {  	[smem:$0x3FB8] =	sst s9;
	s0 =	simm.s32 @!p0 $0x0  }
0x12: {  	s1 =	sld [smem:$0x3F9E];
	s0 =	simm.s32 @p0 $0x1  }
0x13: {  	[smem:$0x3FB9] =	sst s0;
	s0 =	simm.s32 @!p1 $0x0  }
0x14: {  	s2 =	sld [smem:$0x3F9D];
	s0 =	simm.s32 @p1 $0x1  }
0x15: {  	[smem:$0x3FBA] =	sst s0;
	s0 =	simm.s32 @!p2 $0x0  }
0x16: {  	s3 =	sld [smem:$0x3FDB];
	s0 =	simm.s32 @p2 $0x1  }
0x17: {  	s4 =	simm.s32 $0x1BF5;
	[smem:$0x3FBC] =	sst s0  }
0x18: {  	s0 =	sld [smem:$0x3F9F];
	_ =	swait.ge [sflag:s4], $0x0  }
0x19: {  	s7 =	sld [smem:$0x3FA0]  }
0x1a: {  	s8 =	sadd.s32 $0xFFFFE003, lr  }
0x1b: {  	s9 =	sadd.s32 $0xFFFFFEF7, lr;
	s5 =	simm.s32 $0xFFFFFFFF;
	p2 =	slt.u32 s8, $0xFFFFF086  }
0x1c: {  	p1 =	slt.u32 s9, $0xF7A;
	s5 =	simm.s32 @!p2 $0x0  }
0x1d: {  	s5 =	simm.s32 @p1 $0x1;
	p0 =	seq.s32 s7, s2  }
0x1e: {  	s7 =	smul.u32 @!p0 $0xF7A, s2;
	p2 =	seq.s32 @!p0 s5, $0x0  }
0x1f: {  	s9 =	smul.u32 $0xF7A, s1;
	s8 =	simm.s32 @!p0 $0x1BF5;
	p2 =	por !p2, p0  }
0x20: {  	[sflag:s8] =	ssyncset.s32 @!p0 $0xFFFFF086;
	s6 =	sadd.s32 @!p0 s3, s7;
	s7 =	simm.s32 @!p0 $0x108  }
0x21: {  	s3 =	sadd.s32 s3, s9;
	s6 =	sadd.s32 @!p0 $0x88, s6;
	s7 =	simm.s32 @p2 $0x1082  }
0x22: {  	[simem:s7], [sflag:s8] =	dma.local @!p0 [hbm:s6], $0xF7A  }
0x23: {  	s9 =	sor.u32 $0xD0000000, s2;
	s6 =	simm.s32 $0x108;
	_ =	swait.ge @!p0 [sflag:s8], $0x0  }
0x24: {  	s3 =	sadd.s32 $0x88, s3;
	s6 =	simm.s32 @!p1 $0x1082;
	[sflag:s4] =	ssyncset.s32 $0xFFFFF086  }
0x25: {  	[simem:s6], [sflag:s4] =	dma.local [hbm:s3], $0xF7A  }
0x26: {  	[smem:$0x3FA0] =	sst s1;
	(tag) =	ssettag s2;
	_ =	strace s9  }
0x27: {  	s1 =	sld [smem:$0x3FB0]  }
0x28: {  	s2 =	sld [smem:$0x3FB1]  }
0x29: {  	s4 =	sld [smem:$0x3FB3]  }
0x2a: {  	p0 =	seq.s32 s5, $0x0;
	s5 =	sld [smem:$0x3FB4]  }
0x2b: {  	s6 =	sld [smem:$0x3FB5]  }
0x2c: {  	s7 =	sld [smem:$0x3FB6]  }
0x2d: {  	s3 =	simm.s32 $0x108;
	s8 =	sld [smem:$0x3FB7]  }
0x2e: {  	s3 =	simm.s32 @!p0 $0x1082;
	s9 =	sld [smem:$0x3FB8]  }
0x2f: {  	lr =	sadd.s32 s0, s3;
	s0 =	sld [smem:$0x3FAF]  }
0x30: {  	s3 =	sld [smem:$0x3FB2]  }
0x31: {  	[smem:$0x3FBB] =	sst s10  }
0x32: {  	s10 =	sld [smem:$0x3FB9];
	_ =	sdelay $0x3  }
0x33: {  	p0 =	seq.s32 s10, $0x1;
	s10 =	sld [smem:$0x3FBB];
	_ =	sdelay $0x3  }
0x34: {  	[smem:$0x3FBB] =	sst s10  }
0x35: {  	s10 =	sld [smem:$0x3FBA];
	_ =	sdelay $0x3  }
0x36: {  	p1 =	seq.s32 s10, $0x1;
	s10 =	sld [smem:$0x3FBB];
	_ =	sdelay $0x3  }
0x37: {  	[smem:$0x3FBB] =	sst s10  }
0x38: {  	s10 =	sld [smem:$0x3FBC]  }
0x39: {  	_ = 	snop;
	(pc) =	sbr.ind lr, $3  }
0x3a: {  	_ = 	snop  }
0x3b: {  	_ = 	snop  }
0x3c: {  	p2 =	seq.s32 s10, $0x1;
	s10 =	sld [smem:$0x3FBB]  }
0x3d: {  	_ =	shalt  }
0x3e: {  	_ =	shalt  }
0x3f: {  	_ =	shalt  }
0x40: {  	_ =	shalt  }
0x41: {  	_ =	shalt  }
0x42: {  	_ =	shalt  }
0x43: {  	_ =	shalt  }
0x44: {  	_ =	shalt  }
0x45: {  	_ =	shalt  }
0x46: {  	_ =	shalt  }
0x47: {  	_ =	shalt  }
0x48: {  	_ =	shalt  }
0x49: {  	_ =	shalt  }
0x4a: {  	_ =	shalt  }
0x4b: {  	_ =	shalt  }
0x4c: {  	_ =	shalt  }
0x4d: {  	_ =	shalt  }
0x4e: {  	_ =	shalt  }
0x4f: {  	_ =	shalt  }
0x50: {  	_ =	shalt  }
0x51: {  	_ =	shalt  }
0x52: {  	_ =	shalt  }
0x53: {  	_ =	shalt  }
0x54: {  	_ =	shalt  }
0x55: {  	_ =	shalt  }
0x56: {  	_ =	shalt  }
0x57: {  	_ =	shalt  }
0x58: {  	_ =	shalt  }
0x59: {  	_ =	shalt  }
0x5a: {  	_ =	shalt  }
0x5b: {  	_ =	shalt  }
0x5c: {  	_ =	shalt  }
0x5d: {  	_ =	shalt  }
0x5e: {  	_ =	shalt  }
0x5f: {  	_ =	shalt  }
0x60: {  	_ =	shalt  }
0x61: {  	_ =	shalt  }
0x62: {  	_ =	shalt  }
0x63: {  	_ =	shalt  }
0x64: {  	_ =	shalt  }
0x65: {  	_ =	shalt  }
0x66: {  	_ =	shalt  }
0x67: {  	_ =	shalt  }
0x68: {  	_ =	shalt  }
0x69: {  	_ =	shalt  }
0x6a: {  	_ =	shalt  }
0x6b: {  	_ =	shalt  }
0x6c: {  	_ =	shalt  }
0x6d: {  	_ =	shalt  }
0x6e: {  	_ =	shalt  }
0x6f: {  	_ =	shalt  }
0x70: {  	_ =	shalt  }
0x71: {  	_ =	shalt  }
0x72: {  	_ =	shalt  }
0x73: {  	_ =	shalt  }
0x74: {  	_ =	shalt  }
0x75: {  	_ =	shalt  }
0x76: {  	_ =	shalt  }
0x77: {  	_ =	shalt  }
0x78: {  	_ =	shalt  }
0x79: {  	_ =	shalt  }
0x7a: {  	_ =	shalt  }
0x7b: {  	_ =	shalt  }
0x7c: {  	_ =	shalt  }
0x7d: {  	_ =	shalt  }
0x7e: {  	_ =	shalt  }
0x7f: {  	_ =	shalt  }
0x80: {  	_ =	shalt  }
0x81: {  	_ =	shalt  }
0x82: {  	_ =	shalt  }
0x83: {  	_ =	shalt  }
0x84: {  	_ =	shalt  }
0x85: {  	_ =	shalt  }
0x86: {  	_ =	shalt  }
0x87: {  	_ =	shalt  }
.Lfunc_end0:
.L_simem_size_0:
called_computation_lowered:
.L_overlay_start_0:
0x88: {  	s2 =	sld [smem:$0x3FD9]  }
0x89: {  	s3 =	sld [smem:$0x3FFE];
	_ =	sdelay $0x1  }
0x8a: {  	s1 =	srdreg.scid  }
0x8b: {  	s0 =	sand.u32 $0x1, s1  }
0x8c: {  	s17 =	sshll.u32 s0, $0xA;
	s2 =	sadd.s32 s3, s2  }
0x8d: {  	s2 =	sadd.s32 s2, s17  }
0x8e: {  	[smem:$0x3FC7] =	sst s2  }
0x8f: {  	_ = 	snop  }
0x90: {  	s2 =	sld [smem:$0x3FC9];
	(tm) =	ssettm $0x1  }
0x91: {  	s18 =	sld [smem:$0x3FFB];
	_ =	sdelay $0x3  }
0x92: {  	_ =	strace s18  }
0x93: {  	s3 =	sld [smem:$0x3FFC];
	_ =	sdelay $0x3  }
0x94: {  	_ =	strace s3  }
0x95: {  	s3 =	sld [smem:$0x3FFD];
	_ =	sdelay $0x3  }
0x96: {  	_ =	strace s3  }
0x97: {  	_ =	strace $0x8FFFFFFF  }
0x98: {  	s19 =	sld [smem:$0x3FDB];
	_ =	sdelay $0x1  }
0x99: {  	s4 =	simm.s32 $_scs_section_size  }
0x9a: {  	s5 =	simm.s32 $_size__tile_overlayer_lowered;
	s6 =	simm.s32 $_tile_overlayer_lowered  }
0x9b: {  	s22 =	simm.s32 $0x1BFF;
	s21 =	sshll.u32 s6, $0x1;
	s3 =	sadd.s32 s4, s19  }
0x9c: {  	s7 =	simm.s32 $0x0;
	s20 =	sshll.u32 s5, $0x1;
	s5 =	sadd.s32 s21, s3  }
0x9d: {  	[timem:s7], [sflag:s22] =	dma.local [hbm:s5], s20  }
0x9e: {  	_ =	swait.ge [sflag:s22], s20  }
0x9f: {  	s4 =	ssub.s32 $0x0, s20;
	[sflag:s22] =	ssyncset.done $0x0  }
0xa0: {  	[sflag:s22] =	ssyncadd.s32 s4;
	_ =	sdelay $0x1  }
0xa1: {  	s23 =	simm.s32 $0x1B8B  }
0xa2: {  	_ =	swait.ge [sflag:s23], $0x1  }
0xa3: {  	[sflag:s23] =	ssyncset.done $0x0  }
0xa4: {  	s25 =	simm.s32 $0x1B8E;
	s24 =	sld [smem:$0x3FFE];
	[sflag:s23] =	ssyncadd.s32 $0xFFFFFFFF  }
0xa5: {  	s26 =	simm.s32 $execute0_lowered;
	[smem:$0x3FD2] =	sst s25  }
0xa6: {  	s5 =	sshll.u32 s26, $0x1;
	_ =	strace $0x80000046;
	[dreg:$0x1] =	wrdreg $0xFFFFFFFF  }
0xa7: {  	s28 =	simm.s32 $_size_execute0_lowered;
	s3 =	sadd.s32 s3, s5;
	[dreg:$0x0] =	wrdreg $0x0  }
0xa8: {  	s5 =	sshll.u32 s28, $0x1;
	[dreg:$0x2] =	wrdreg s3  }
0xa9: {  	[dreg:$0x3] =	wrdreg s5  }
0xaa: {  	[dreg:$0x4] =	wrdreg $0xC0  }
0xab: {  	_ =	task [dreg:s7], $0x5FFFF  }
0xac: {  	[dreg:$0x1] =	wrdreg $0xFFFFFFFF  }
0xad: {  	[dreg:$0x0] =	wrdreg $0x60  }
0xae: {  	[dreg:$0x2] =	wrdreg s2  }
0xaf: {  	[dreg:$0x3] =	wrdreg s24  }
0xb0: {  	[dreg:$0x4] =	wrdreg $0x9  }
0xb1: {  	_ =	task.clear_ibuf [dreg:s7], $0x5FFFF;
	_ =	strace $0x90000046  }
0xb2: {  	s29 =	simm.s32 $0x9;
	_ =	strace $0x80000048  }
0xb3: {  	_ =	swait.ge [sflag:s29], $0x1  }
0xb4: {  	[sflag:s29] =	ssyncadd.s32 $0xFFFFFFFF  }
0xb5: {  	_ =	strace $0x90000048  }
0xb6: {  	_ =	sfence  }
0xb7: {  	s30 =	sld [smem:$0x0];
	_ =	sdelay $0x2  }
0xb8: {  	s31 =	sshll.u32 s1, $0xD;
	s1 =	sshrl.u32 s1, $0x2  }
0xb9: {  	s3 =	sand.u32 $0x4000, s31;
	s1 =	sadd.s32 s1, s30  }
0xba: {  	s0 =	sor.u32 s3, s0;
	s1 =	sshll.u32 s1, $0x11  }
0xbb: {  	s0 =	sor.u32 s1, s0  }
0xbc: {  	s0 =	sadd.s32 $0x8F2B, s0  }
0xbd: {  	[sflag:s0] =	ssyncadd.remote.s32 $0x1  }
0xbe: {  	_ =	sfence.sel $0xFFFF  }
0xbf: {  	[dreg:$0x0] =	wrdreg $0xFFFFFFFF;
	(pc) =	sbr.abs _section_cstart, $3  }
0xc0: {  	[dreg:$0x1] =	wrdreg $0xFFFFFFFF  }
0xc1: {  	_ =	task.clear_ibuf [dreg:s7], $0x2FFFF;
	_ =	strace $0x9FFFFFFF  }
0xc2: {  	(tm) =	ssettm $0x7FFFFFFF  }
0xc3: {  	_ =	shalt  }
tec
execute0_lowered:
.L_overlay_start_1:
0x0: {  	(tag) =	ssettag $0x1  }
0x1: {  	v0 =	vimm.s32 $0xBA98FEDC;
	v1 =	vimm.s32 $0x32107654  }
0x2: {  	v2 =	vimm.s32 $0xFEDCBA98;
	v3 =	vimm.s32 $0x76543210;
	v6 =	vimm.s32 $0x54761032  }
0x3: {  	v7 =	vimm.f32 $-2.421875000e-01;
	vm0 =	vcmask $0x300;
	v8 =	vimm.s32 $0xEFCDAB89  }
0x4: {  	v9 =	vimm.s32 $0x67452301;
	v11 =	vimm.f32 $1.000000000e+00;
	v13 =	vimm.s32 $0xF  }
0x5: {  	v0 =	vunpack.c.l.s4.s8 v0;
	v1 =	vunpack.c.l.s4.s8 v1;
	v2 =	vunpack.c.l.s4.s8 v2  }
0x6: {  	v3 =	vunpack.c.l.s4.s8 v3;
	v6 =	vunpack.c.l.s4.s8 v6;
	v7 =	vsel vm0, $0xBC000000, v7  }
0x7: {  	vm0 =	vcmask $0x704;
	v8 =	vunpack.c.l.s4.s8 v8;
	v9 =	vunpack.c.l.s4.s8 v9  }
0x8: {  	s6 =	rddreg [dreg:$0x0];
	v7 =	vsel vm0, $0xBCC00000, v7;
	vm0 =	vcmask $0xB08;
	v4 =	vunpack.c.0.s8.s32 v0  }
0x9: {  	s7 =	rddreg [dreg:$0x1];
	v1 =	vunpack.c.0.s8.s32 v1;
	v5 =	vunpack.c.0.s8.s32 v2;
	v0 =	vimm.f32 $0.0e+00  }
0xa: {  	s0 =	rddreg [dreg:$0x2];
	s1 =	simm.s32 $0x0;
	v3 =	vunpack.c.0.s8.s32 v3;
	v7 =	vsel vm0, $0xBD200000, v7;
	vm0 =	vcmask $0xF0C  }
0xb: {  	s3 =	srdreg.scid;
	s2 =	stileid.u32;
	s13 =	simm.s32 $0x18700;
	v2 =	vlaneseq.u32;
	v6 =	vunpack.c.0.s8.s32 v6;
	v7 =	vsel vm0, $0xBD600000, v7  }
0xc: {  	s14 =	simm.s32 $0x1CB80;
	s15 =	simm.s32 $0x1CB00;
	s16 =	simm.s32 $0x0;
	vm0 =	vcmask $0x1310;
	v1 =	vcombine.low v1, v4;
	v4 =	vand.u32 $0xF, v5  }
0xd: {  	[smem:$0x7FF] =	sst s1;
	s3 =	sand.u32 $0x1, s3;
	s4 =	sshll.u32 s2, $0x9;
	v5 =	vimm.s32 $0xDCFE98BA;
	v7 =	vsel vm0, $0xBD900000, v7;
	vm0 =	vcmask $0x1714  }
0xe: {  	s5 =	sshrl.u32 s2, $0x1;
	s29 =	sadd.s32 $0x400, s7;
	s8 =	sshll.u32 s3, $0x8;
	v5 =	vunpack.c.l.s4.s8 v5;
	v7 =	vsel vm0, $0xBDB00000, v7;
	vm0 =	vcmask $0x1B18  }
0xf: {  	s4 =	sand.u32 $0x200, s4;
	s9 =	smul.u32 $0xC3800, s5;
	s3 =	ssub.s32 $0x2, s3;
	v8 =	vunpack.c.0.s8.s32 v8;
	v7 =	vsel vm0, $0xBDD00000, v7;
	vm0 =	vcmask $0x1F1C  }
0x10: {  	_ =	strace $0x80000047;
	s4 =	sor.u32 s8, s4;
	s10 =	sshrl.u32 s3, $0x1;
	v5 =	vunpack.c.0.s8.s32 v5;
	v7 =	vsel vm0, $0xBDF00000, v7;
	vm0 =	vcmask $0x2320  }
0x11: {  	s5 =	sshll.u32 s5, $0xA;
	v9 =	vunpack.c.0.s8.s32 v9;
	s11 =	sor.u32 s9, s4;
	s10 =	ssub.s32 s3, s10;
	v7 =	vsel vm0, $0xBE080000, v7;
	vm0 =	vcmask $0x2724  }
0x12: {  	s31 =	sor.u32 s5, s4;
	s4 =	sor.u32 $0x80, s4;
	s30 =	sshrl.u32 s11, $0x3;
	v5 =	vcombine.low v6, v5;
	v7 =	vsel vm0, $0xBE180000, v7;
	vm0 =	vcmask $0x2B28  }
0x13: {  	s11 =	sshrl.u32 s31, $0x3;
	s9 =	sor.u32 s9, s4;
	s5 =	sor.u32 s5, s4;
	v6 =	vcombine.low v9, v8;
	v8 =	vsel vm0, $0xBE280000, v7;
	vm0 =	vcmask $0x2F2C  }
0x14: {  	v3 =	vcombine.low v4, v3;
	s3 =	sadd.s32 s6, s30;
	s4 =	sadd.s32 s7, s11;
	s9 =	sshrl.u32 s9, $0x3;
	v9 =	vsel vm0, $0xBE380000, v8;
	vm0 =	vcmask $0x3330  }
0x15: {  	s12 =	sshrl.u32 s5, $0x3;
	s5 =	sadd.s32 s29, s11;
	s11 =	simm.s32 $0x400;
	v4 =	vand.u32 $0xF, v1;
	v10 =	vsel vm0, $0xBE480000, v9;
	vm0 =	vcmask $0x3734  }
0x16: {  	s6 =	sadd.s32 s6, s9;
	s7 =	sadd.s32 s7, s12;
	s8 =	sadd.s32 s29, s12;
	v7 =	vand.u32 $0xF, v5;
	v10 =	vsel vm0, $0xBE580000, v10;
	vm0 =	vcmask $0x3B38  }
0x17: {  	s9 =	smax.u32 s10, $0x1;
	s10 =	simm.s32 $0x80;
	s12 =	simm.s32 $0x1;
	v8 =	vand.u32 $0xF, v6;
	v9 =	vmul.u32 $0x400, v2;
	v12 =	vsel vm0, $0xBE680000, v10  }
.LBB2_1:
0x18: {  	[tilespmem:s1], [sflag:$0x1] =	stream.strided.gather [hbm4b:s3+s10], $0x18700, s11, s10, $0x38;
	[tilespmem:$0x1CC00] =	vst v63  }
0x19: {  	_ =	swait.ge [sflag:s12], $0x18700  }
0x1a: {  	[sflag:s12] =	ssyncset.done $0x0  }
0x1b: {  	s18 =	simm.s32 $0x18740;
	[sflag:s12] =	ssyncadd.s32 $0xFFFE7900  }
0x1c: {  	[tilespmem:s18+$0xFFFFFFC0] =	vst v0  }
0x1d: {  	[tilespmem:s18+$0x30] =	vst v0  }
0x1e: {  	[tilespmem:s18+$0x20] =	vst v0  }
0x1f: {  	[tilespmem:s18+$0x10] =	vst v0  }
0x20: {  	[tilespmem:s18+$0x0] =	vst v0  }
0x21: {  	[tilespmem:s18+$0xFFFFFFF0] =	vst v0  }
0x22: {  	s20 =	simm.s32 $0x0;
	s19 =	simm.s32 $0x40;
	[tilespmem:s18+$0xFFFFFFE0] =	vst v0  }
.LBB2_2:
0x23: {  	s20 =	sadd.s32 $0x8, s20;
	[tilespmem:s18+$0xFFFFFFD0] =	vst v0;
	s18 =	sadd.s32 $0x80, s18;
	v14 =	vimm.f32 $-Inf;
	v15 =	vimm.s32 $0x0;
	s17 =	simm.s32 $0x70  }
0x24: {  	[tilespmem:s18+$0xFFFFFFC0] =	vst v0;
	p0 =	slt.u32 s20, $0x3F8  }
0x25: {  	[tilespmem:s18+$0x30] =	vst v0  }
.Ltmp0:
0x26: {  	[tilespmem:s18+$0x20] =	vst v0;
	(pc) =	sbr.rel @p0 .LBB2_2-.Ltmp0, $4  }
0x27: {  	[tilespmem:s18+$0x10] =	vst v0  }
0x28: {  	[tilespmem:s18+$0x0] =	vst v0  }
0x29: {  	[tilespmem:s18+$0xFFFFFFF0] =	vst v0  }
0x2a: {  	[tilespmem:s18+$0xFFFFFFE0] =	vst v0  }
0x2b: {  	[tilespmem:s18+$0xFFFFFFD0] =	vst v0  }
0x2c: {  	v16 =	vld [tilespmem:s19+$0xFFFFFFC0];
	_ =	sdelay $0x1  }
0x2d: {  	v17 =	vld [tilespmem:s19+$0xFFFFFFD0];
	_ =	sdelay $0x1  }
0x2e: {  	v18 =	vld [tilespmem:s19+$0xFFFFFFE0]  }
0x2f: {  	vm1 =	vgt.f32 v16, v14  }
0x30: {  	v14 =	vsel vm1, v16, v14;
	v16 =	vld [tilespmem:s19+$0xFFFFFFF0]  }
0x31: {  	vm2 =	vgt.f32 v17, v14  }
0x32: {  	v14 =	vsel vm2, v17, v14  }
0x33: {  	s26 =	simm.s32 $0x0;
	vm3 =	vgt.f32 v18, v14  }
0x34: {  	s28 =	simm.s32 $0x10;
	v19 =	vor.u32 s26, v2;
	v17 =	vld [tilespmem:s19+$0x0];
	v18 =	vsel vm3, v18, v14  }
0x35: {  	s29 =	simm.s32 $0x20;
	v15 =	vsel vm1, v19, v15;
	v19 =	vor.u32 s28, v2;
	vm1 =	vgt.f32 v16, v18  }
0x36: {  	s30 =	simm.s32 $0x30;
	v15 =	vsel vm2, v19, v15;
	v14 =	vld [tilespmem:s19+$0x10];
	v16 =	vsel vm1, v16, v18;
	v18 =	vor.u32 s29, v2  }
0x37: {  	v15 =	vsel vm3, v18, v15;
	v18 =	vor.u32 s30, v2  }
0x38: {  	v19 =	vsel vm1, v18, v15;
	v15 =	vld [tilespmem:s19+$0x20]  }
0x39: {  	s31 =	simm.s32 $0x40;
	vm2 =	vgt.f32 v17, v16  }
0x3a: {  	s20 =	simm.s32 $0x50;
	v20 =	vor.u32 s31, v2;
	v18 =	vsel vm2, v17, v16;
	v16 =	vld [tilespmem:s19+$0x30]  }
0x3b: {  	s18 =	simm.s32 $0x0;
	s19 =	simm.s32 $0xC0;
	v17 =	vsel vm2, v20, v19;
	v19 =	vor.u32 s20, v2;
	vm1 =	vgt.f32 v14, v18  }
.LBB2_4:
0x3c: {  	v20 =	vld [tilespmem:s19+$0xFFFFFFC0];
	s18 =	sadd.s32 $0x8, s18;
	v17 =	vsel vm1, v19, v17;
	v14 =	vsel vm1, v14, v18;
	s20 =	sadd.s32 $0xFFFFFFF0, s17  }
0x3d: {  	p0 =	slt.u32 s18, $0x1860;
	v18 =	vor.u32 s20, v2;
	vm1 =	vgt.f32 v15, v14  }
0x3e: {  	v19 =	vld [tilespmem:s19+$0xFFFFFFD0];
	v17 =	vsel vm1, v18, v17;
	v14 =	vsel vm1, v15, v14  }
0x3f: {  	v15 =	vor.u32 s17, v2;
	s17 =	sadd.s32 $0x80, s17;
	vm1 =	vgt.f32 v16, v14  }
0x40: {  	s20 =	simm.s32 $0x18680;
	s21 =	sadd.s32 $0xFFFFFF90, s17;
	v18 =	vld [tilespmem:s19+$0xFFFFFFE0];
	v15 =	vsel vm1, v15, v17;
	v14 =	vsel vm1, v16, v14  }
0x41: {  	v16 =	vor.u32 s21, v2;
	vm1 =	vgt.f32 v20, v14  }
0x42: {  	s21 =	sadd.s32 $0xFFFFFFA0, s17;
	v15 =	vsel vm1, v16, v15;
	v14 =	vsel vm1, v20, v14;
	v16 =	vld [tilespmem:s19+$0xFFFFFFF0]  }
0x43: {  	v17 =	vor.u32 s21, v2;
	vm1 =	vgt.f32 v19, v14  }
0x44: {  	s21 =	sadd.s32 $0xFFFFFFB0, s17;
	v15 =	vsel vm1, v17, v15;
	v14 =	vsel vm1, v19, v14;
	v19 =	vld [tilespmem:s19+$0x0]  }
0x45: {  	v17 =	vor.u32 s21, v2;
	vm1 =	vgt.f32 v18, v14  }
0x46: {  	s21 =	sadd.s32 $0xFFFFFFC0, s17;
	v15 =	vsel vm1, v17, v15;
	v17 =	vsel vm1, v18, v14;
	v14 =	vld [tilespmem:s19+$0x10]  }
.Ltmp1:
0x47: {  	v18 =	vor.u32 s21, v2;
	vm1 =	vgt.f32 v16, v17;
	(pc) =	sbr.rel @p0 .LBB2_4-.Ltmp1, $4  }
0x48: {  	s21 =	sadd.s32 $0xFFFFFFD0, s17;
	v18 =	vsel vm1, v18, v15;
	v16 =	vsel vm1, v16, v17;
	v15 =	vld [tilespmem:s19+$0x20]  }
0x49: {  	v17 =	vor.u32 s21, v2;
	vm1 =	vgt.f32 v19, v16  }
0x4a: {  	s21 =	sadd.s32 $0xFFFFFFE0, s17;
	v17 =	vsel vm1, v17, v18;
	v18 =	vsel vm1, v19, v16;
	v16 =	vld [tilespmem:s19+$0x30]  }
0x4b: {  	v19 =	vor.u32 s21, v2;
	s19 =	sadd.s32 $0x80, s19;
	vm1 =	vgt.f32 v14, v18  }
0x4c: {  	v14 =	vsel vm1, v14, v18  }
0x4d: {  	s18 =	sadd.s32 $0xFFFFFFF0, s17;
	vm2 =	vgt.f32 v15, v14  }
0x4e: {  	v17 =	vsel vm1, v19, v17;
	v63 =	vor.u32 s18, v2;
	v15 =	vsel vm2, v15, v14  }
0x4f: {  	v14 =	vsel vm2, v63, v17;
	v17 =	vor.u32 s17, v2;
	vm1 =	vgt.f32 v16, v15  }
0x50: {  	s17 =	simm.s32 $0x18680;
	v14 =	vsel vm1, v17, v14;
	v15 =	vsel vm1, v16, v15  }
.LBB2_6:
0x51: {  	v16 =	vld [tilespmem:s20+$0x0]  }
0x52: {  	p0 =	sne.s32 s17, $0x18690  }
.Ltmp2:
0x53: {  	_ = 	snop;
	(pc) =	sbr.rel @p0 .LBB2_6-.Ltmp2, $3  }
0x54: {  	_ =	sdelay $0x1  }
0x55: {  	v17 =	vor.u32 s17, v2;
	vm1 =	vgt.f32 v16, v15  }
0x56: {  	s20 =	sadd.s32 $0x10, s20;
	s17 =	sadd.s32 $0x10, s17;
	v14 =	vsel vm1, v17, v14;
	v15 =	vsel vm1, v16, v15  }
0x57: {  	v16 =	vperm.xlane v15, v3;
	_ =	sdelay $0x1  }
0x58: {  	v16 =	vmax.f32 v15, v16  }
0x59: {  	v17 =	vperm.xlane v16, v4;
	_ =	sdelay $0x1  }
0x5a: {  	v16 =	vmax.f32 v16, v17  }
0x5b: {  	v17 =	vperm.xlane v16, v7;
	_ =	sdelay $0x1  }
0x5c: {  	v16 =	vmax.f32 v16, v17  }
0x5d: {  	s17 =	simm.s32 $0x40;
	v17 =	vperm.xlane v16, v8  }
0x5e: {  	v18 =	vld [tilespmem:s17+$0xFFFFFFD0]  }
0x5f: {  	v20 =	vld [tilespmem:s17+$0xFFFFFFF0];
	v16 =	vmax.f32 v16, v17  }
0x60: {  	v21 =	vld [tilespmem:s17+$0x0];
	vm1 =	veq.f32 v15, v16  }
0x61: {  	v22 =	vld [tilespmem:s17+$0x10];
	v14 =	vnsel vm1, $0x7FFFFFFF, v14  }
0x62: {  	s31 =	simm.s32 $0xC0;
	v23 =	vld [tilespmem:s17+$0xFFFFFFC0];
	v15 =	vperm.xlane v14, v3  }
0x63: {  	v25 =	vld [tilespmem:s31+$0x30]  }
0x64: {  	vm1 =	vlt.s32 v14, v15  }
0x65: {  	v18 =	vsub.f32 v16, v18;
	v14 =	vsel vm1, v14, v15  }
0x66: {  	v17 =	vld [tilespmem:s17+$0x30];
	v20 =	vsub.f32 v16, v20;
	v21 =	vsub.f32 v16, v21;
	v15 =	vperm.xlane v14, v4  }
0x67: {  	v22 =	vsub.f32 v16, v22;
	v23 =	vsub.f32 v16, v23  }
0x68: {  	v25 =	vsub.f32 v16, v25;
	v18 =	vmul.f32 $6.400000000e+01, v18;
	vm1 =	vlt.s32 v14, v15  }
0x69: {  	v20 =	vmul.f32 $6.400000000e+01, v20;
	v21 =	vmul.f32 $6.400000000e+01, v21;
	v14 =	vsel vm1, v14, v15  }
0x6a: {  	v22 =	vmul.f32 $6.400000000e+01, v22;
	v19 =	vperm.xlane v14, v7  }
0x6b: {  	v23 =	vmul.f32 $6.400000000e+01, v23;
	v25 =	vmul.f32 $6.400000000e+01, v25;
	v17 =	vsub.f32 v16, v17  }
0x6c: {  	v18 =	vmin.f32 v18, $1.023000000e+03;
	v20 =	vmin.f32 v20, $1.023000000e+03;
	v15 =	vld [tilespmem:s17+$0xFFFFFFE0];
	vm1 =	vlt.s32 v14, v19  }
0x6d: {  	v21 =	vmin.f32 v21, $1.023000000e+03;
	v22 =	vmin.f32 v22, $1.023000000e+03;
	v14 =	vsel vm1, v14, v19;
	v19 =	vld [tilespmem:s17+$0x20]  }
0x6e: {  	v23 =	vmin.f32 v23, $1.023000000e+03;
	v18 =	vtrunc.f32 v18;
	v20 =	vtrunc.f32 v20  }
0x6f: {  	v25 =	vmin.f32 v25, $1.023000000e+03;
	v21 =	vtrunc.f32 v21;
	v23 =	vtrunc.f32 v23  }
0x70: {  	v22 =	vtrunc.f32 v22;
	v25 =	vtrunc.f32 v25  }
0x71: {  	v17 =	vmul.f32 $6.400000000e+01, v17;
	v23 =	vcvt.f32.s32 v23;
	v24 =	vsub.f32 v16, v15  }
0x72: {  	v26 =	vld [tilespmem:s31+$0xFFFFFFD0];
	v31 =	vcvt.f32.s32 v18;
	v20 =	vcvt.f32.s32 v20;
	v19 =	vsub.f32 v16, v19  }
0x73: {  	v32 =	vld [tilespmem:s31+$0x0];
	v18 =	vcvt.f32.s32 v22;
	v24 =	vmul.f32 $6.400000000e+01, v24  }
0x74: {  	v27 =	vld [tilespmem:s31+$0xFFFFFFE0];
	v17 =	vmin.f32 v17, $1.023000000e+03;
	v23 =	vadd.s32 v9, v23;
	v19 =	vmul.f32 $6.400000000e+01, v19  }
0x75: {  	v30 =	vld [tilespmem:s31+$0xFFFFFFF0];
	v33 =	vadd.s32 v9, v20;
	v17 =	vtrunc.f32 v17;
	v24 =	vmin.f32 v24, $1.023000000e+03  }
0x76: {  	v22 =	vld [tilespmem:s31+$0x20];
	v17 =	vcvt.f32.s32 v17;
	v24 =	vtrunc.f32 v24;
	v19 =	vmin.f32 v19, $1.023000000e+03  }
0x77: {  	v28 =	vtrunc.f32 v19;
	v19 =	vcvt.f32.s32 v21;
	v21 =	vsub.f32 v16, v26;
	v26 =	vld [tilespmem:s31+$0x10]  }
0x78: {  	v60 =	vld [tilespmem:s31+$0xFFFFFFC0];
	v20 =	vsub.f32 v16, v32;
	v29 =	vadd.s32 v9, v17;
	v24 =	vcvt.f32.s32 v24  }
0x79: {  	v27 =	vsub.f32 v16, v27;
	v25 =	vcvt.f32.s32 v25  }
0x7a: {  	v30 =	vsub.f32 v16, v30;
	v61 =	vmul.f32 $6.400000000e+01, v20;
	v24 =	vadd.s32 v9, v24  }
0x7b: {  	v20 =	vadd.s32 v9, v25;
	v17 =	vcvt.f32.s32 v28;
	v28 =	vadd.s32 v9, v31  }
0x7c: {  	v27 =	vmul.f32 $6.400000000e+01, v27;
	v62 =	vsub.f32 v16, v22;
	[tilespmem:v23+s13+$0x0] =	vst.idx.add.f32.msk $0xffff, v11;
	v26 =	vsub.f32 v16, v26  }
0x7d: {  	v23 =	vsub.f32 v16, v60;
	v15 =	vperm.xlane v14, v8;
	[tilespmem:v29+s13+$0x0] =	vst.idx.add.f32.msk $0xffff, v11;
	v29 =	vmul.f32 $6.400000000e+01, v30  }
0x7e: {  	v25 =	vmin.f32 v27, $1.023000000e+03;
	[tilespmem:v33+s13+$0x0] =	vst.idx.add.f32.msk $0xffff, v11;
	v21 =	vmul.f32 $6.400000000e+01, v21;
	v63 =	vmul.f32 $6.400000000e+01, v26  }
0x7f: {  	v27 =	vmul.f32 $6.400000000e+01, v23;
	v22 =	vmin.f32 v29, $1.023000000e+03;
	[tilespmem:v24+s13+$0x0] =	vst.idx.add.f32.msk $0xffff, v11;
	v26 =	vmul.f32 $6.400000000e+01, v62  }
0x80: {  	s18 =	simm.s32 $0x140;
	s17 =	simm.s32 $0x8;
	v21 =	vmin.f32 v21, $1.023000000e+03;
	v24 =	vmin.f32 v61, $1.023000000e+03;
	[tilespmem:v28+s13+$0x0] =	vst.idx.add.f32.msk $0xffff, v11;
	v23 =	vmin.f32 v63, $1.023000000e+03  }
.LBB2_8:
0x81: {  	v28 =	vld [tilespmem:s18+$0x30];
	s17 =	sadd.s32 $0x8, s17;
	v21 =	vtrunc.f32 v21;
	v25 =	vtrunc.f32 v25;
	v26 =	vmin.f32 v26, $1.023000000e+03  }
0x82: {  	v22 =	vtrunc.f32 v22;
	v24 =	vtrunc.f32 v24;
	v29 =	vld [tilespmem:s18+$0xFFFFFFD0];
	p0 =	slt.u32 s17, $0x1860;
	v27 =	vmin.f32 v27, $1.023000000e+03  }
0x83: {  	v23 =	vtrunc.f32 v23;
	v27 =	vtrunc.f32 v27;
	[tilespmem:v20+s13+$0x0] =	vst.idx.add.f32.msk $0xffff, v11;
	v20 =	vadd.s32 v9, v19  }
0x84: {  	v31 =	vadd.s32 v9, v18;
	v26 =	vtrunc.f32 v26;
	v30 =	vld [tilespmem:s18+$0xFFFFFFE0];
	v27 =	vcvt.f32.s32 v27  }
0x85: {  	v33 =	vadd.s32 v9, v17;
	v21 =	vcvt.f32.s32 v21;
	v25 =	vcvt.f32.s32 v25;
	v32 =	vld [tilespmem:s18+$0xFFFFFFF0]  }
0x86: {  	v22 =	vcvt.f32.s32 v22;
	v19 =	vcvt.f32.s32 v24;
	v34 =	vld [tilespmem:s18+$0x0];
	v28 =	vsub.f32 v16, v28  }
0x87: {  	v18 =	vcvt.f32.s32 v23;
	v17 =	vcvt.f32.s32 v26;
	v24 =	vsub.f32 v16, v29;
	v29 =	vld [tilespmem:s18+$0x10]  }
0x88: {  	v27 =	vadd.s32 v9, v27;
	v23 =	vld [tilespmem:s18+$0x20];
	v26 =	vmul.f32 $6.400000000e+01, v28;
	v28 =	vadd.s32 v9, v21  }
0x89: {  	v35 =	vld [tilespmem:s18+$0xFFFFFFC0];
	v21 =	vmul.f32 $6.400000000e+01, v24;
	v24 =	vsub.f32 v16, v30;
	v30 =	vadd.s32 v9, v25  }
0x8a: {  	v25 =	vsub.f32 v16, v32;
	v26 =	vmin.f32 v26, $1.023000000e+03;
	v32 =	vadd.s32 v9, v22;
	[tilespmem:v20+s13+$0x0] =	vst.idx.add.f32.msk $0xffff, v11  }
0x8b: {  	v22 =	vmul.f32 $6.400000000e+01, v24;
	v20 =	vsub.f32 v16, v34;
	v24 =	vtrunc.f32 v26;
	[tilespmem:v31+s13+$0x0] =	vst.idx.add.f32.msk $0xffff, v11  }
.Ltmp3:
0x8c: {  	v26 =	vmul.f32 $6.400000000e+01, v25;
	v25 =	vsub.f32 v16, v29;
	v24 =	vcvt.f32.s32 v24;
	[tilespmem:v33+s13+$0x0] =	vst.idx.add.f32.msk $0xffff, v11;
	(pc) =	sbr.rel @p0 .LBB2_8-.Ltmp3, $4  }
0x8d: {  	v21 =	vmin.f32 v21, $1.023000000e+03;
	v29 =	vmul.f32 $6.400000000e+01, v20;
	v23 =	vsub.f32 v16, v23;
	[tilespmem:v27+s13+$0x0] =	vst.idx.add.f32.msk $0xffff, v11  }
0x8e: {  	v27 =	vsub.f32 v16, v35;
	v31 =	vmul.f32 $6.400000000e+01, v25;
	v20 =	vadd.s32 v9, v24;
	[tilespmem:v28+s13+$0x0] =	vst.idx.add.f32.msk $0xffff, v11  }
0x8f: {  	v25 =	vmin.f32 v22, $1.023000000e+03;
	v22 =	vmin.f32 v26, $1.023000000e+03;
	v26 =	vmul.f32 $6.400000000e+01, v23;
	[tilespmem:v30+s13+$0x0] =	vst.idx.add.f32.msk $0xffff, v11  }
0x90: {  	s18 =	sadd.s32 $0x80, s18;
	v24 =	vmin.f32 v29, $1.023000000e+03;
	v27 =	vmul.f32 $6.400000000e+01, v27;
	v23 =	vmin.f32 v31, $1.023000000e+03;
	[tilespmem:v32+s13+$0x0] =	vst.idx.add.f32.msk $0xffff, v11  }
0x91: {  	v21 =	vtrunc.f32 v21  }
0x92: {  	v19 =	vadd.s32 v9, v19;
	v25 =	vtrunc.f32 v25;
	v18 =	vadd.s32 v9, v18  }
0x93: {  	v26 =	vmin.f32 v26, $1.023000000e+03;
	v17 =	vadd.s32 v9, v17;
	v21 =	vcvt.f32.s32 v21  }
0x94: {  	v22 =	vtrunc.f32 v22;
	v27 =	vmin.f32 v27, $1.023000000e+03;
	v25 =	vcvt.f32.s32 v25  }
0x95: {  	v60 =	vcvt.f32.s32 v22;
	v27 =	vtrunc.f32 v27;
	v21 =	vadd.s32 v9, v21  }
0x96: {  	v24 =	vtrunc.f32 v24;
	[tilespmem:v20+s13+$0x0] =	vst.idx.add.f32.msk $0xffff, v11;
	v27 =	vcvt.f32.s32 v27;
	v63 =	vadd.s32 v9, v25  }
0x97: {  	v61 =	vtrunc.f32 v23;
	v62 =	vcvt.f32.s32 v24;
	v20 =	vadd.s32 v9, v60;
	[tilespmem:v19+s13+$0x0] =	vst.idx.add.f32.msk $0xffff, v11  }
0x98: {  	v22 =	vcvt.f32.s32 v61;
	v27 =	vadd.s32 v9, v27;
	v19 =	vtrunc.f32 v26;
	[tilespmem:v18+s13+$0x0] =	vst.idx.add.f32.msk $0xffff, v11  }
0x99: {  	[tilespmem:v17+s13+$0x0] =	vst.idx.add.f32.msk $0xffff, v11;
	v17 =	vadd.s32 v9, v62;
	v18 =	vcvt.f32.s32 v19  }
0x9a: {  	v19 =	vadd.s32 v9, v22;
	[tilespmem:v21+s13+$0x0] =	vst.idx.add.f32.msk $0xffff, v11  }
0x9b: {  	v18 =	vadd.s32 v9, v18;
	[tilespmem:v63+s13+$0x0] =	vst.idx.add.f32.msk $0xffff, v11  }
0x9c: {  	[tilespmem:v20+s13+$0x0] =	vst.idx.add.f32.msk $0xffff, v11  }
0x9d: {  	[tilespmem:v27+s13+$0x0] =	vst.idx.add.f32.msk $0xffff, v11  }
0x9e: {  	[tilespmem:v17+s13+$0x0] =	vst.idx.add.f32.msk $0xffff, v11  }
0x9f: {  	[tilespmem:v19+s13+$0x0] =	vst.idx.add.f32.msk $0xffff, v11  }
0xa0: {  	s17 =	simm.s32 $0x0;
	s18 =	simm.s32 $0x0;
	[tilespmem:v18+s13+$0x0] =	vst.idx.add.f32.msk $0xffff, v11  }
.LBB2_10:
0xa1: {  	s19 =	sshra.s32 s18, $0x2  }
0xa2: {  	v17 =	vld [tilespmem:s19+$0x18680];
	_ =	sdelay $0x4  }
0xa3: {  	v17 =	vsub.f32 v16, v17;
	_ =	sdelay $0x1  }
0xa4: {  	v17 =	vmul.f32 $6.400000000e+01, v17;
	_ =	sdelay $0x1  }
0xa5: {  	v17 =	vmin.f32 v17, $1.023000000e+03  }
0xa6: {  	v17 =	vtrunc.f32 v17  }
0xa7: {  	v17 =	vcvt.f32.s32 v17;
	_ =	sdelay $0x1  }
0xa8: {  	p0 =	sne.s32 s18, $0x40;
	v17 =	vadd.s32 v9, v17  }
.Ltmp4:
0xa9: {  	_ = 	snop;
	(pc) =	sbr.rel @p0 .LBB2_10-.Ltmp4, $2  }
0xaa: {  	_ =	sdelay $0x2  }
0xab: {  	s18 =	sadd.s32 $0x40, s18;
	[tilespmem:v17+s13+$0x0] =	vst.idx.add.f32.msk $0xffff, v11  }
0xac: {  	s18 =	sand.u32 $0x3E0, s17  }
0xad: {  	v16 =	vld [tilespmem:s18+$0x18B00]  }
0xae: {  	v17 =	vld [tilespmem:s18+$0x18F00]  }
0xaf: {  	v19 =	vld [tilespmem:s18+$0x19300]  }
0xb0: {  	s19 =	simm.s32 $0x1A710;
	v20 =	vld [tilespmem:s18+$0x19700]  }
0xb1: {  	v21 =	vld [tilespmem:s19+$0xFFFFF800]  }
0xb2: {  	v22 =	vld [tilespmem:s19+$0xFFFFF400]  }
0xb3: {  	v18 =	vld [tilespmem:s19+$0xFFFFDFF0]  }
0xb4: {  	v23 =	vld [tilespmem:s19+$0xFFFFE400]  }
0xb5: {  	v24 =	vld [tilespmem:s19+$0xFFFFE000]  }
0xb6: {  	v25 =	vld [tilespmem:s18+$0x19F00]  }
0xb7: {  	v26 =	vld [tilespmem:s19+$0xFFFFE800]  }
0xb8: {  	v27 =	vld [tilespmem:s19+$0xFFFFF000]  }
0xb9: {  	s31 =	simm.s32 $0x20;
	v28 =	vld [tilespmem:s19+$0xFFFFEC00];
	v16 =	vadd.f32 v16, v18  }
0xba: {  	s17 =	sand.u32 $0x3E0, s31;
	v29 =	vld [tilespmem:s18+$0x19B00]  }
0xbb: {  	v30 =	vld [tilespmem:s17+$0x18B00];
	v23 =	vadd.f32 v23, v24;
	v16 =	vadd.f32 v17, v16  }
0xbc: {  	v18 =	vld [tilespmem:s17+$0x18F00]  }
0xbd: {  	v24 =	vld [tilespmem:s19+$0xFFFFFC00];
	v23 =	vadd.f32 v26, v23;
	v19 =	vadd.f32 v19, v16  }
0xbe: {  	v17 =	vld [tilespmem:s17+$0x19300]  }
0xbf: {  	v26 =	vld [tilespmem:s18+$0x1A700];
	v23 =	vadd.f32 v28, v23;
	v19 =	vadd.f32 v20, v19  }
0xc0: {  	v20 =	vld [tilespmem:s18+$0x1A300]  }
0xc1: {  	v16 =	vld [tilespmem:s17+$0x19700];
	v23 =	vadd.f32 v27, v23;
	v19 =	vadd.f32 v29, v19  }
0xc2: {  	v28 =	vld [tilespmem:s18+$0x1BB00]  }
0xc3: {  	v27 =	vld [tilespmem:s18+$0x1AB00];
	v22 =	vadd.f32 v22, v23;
	v19 =	vadd.f32 v25, v19  }
0xc4: {  	v25 =	vld [tilespmem:s19+$0x0]  }
0xc5: {  	v23 =	vld [tilespmem:s18+$0x1AF00];
	v21 =	vadd.f32 v21, v22;
	v19 =	vadd.f32 v20, v19  }
0xc6: {  	v20 =	vld [tilespmem:s19+$0x400]  }
0xc7: {  	v22 =	vld [tilespmem:s19+$0x800];
	v21 =	vadd.f32 v24, v21;
	v19 =	vadd.f32 v26, v19  }
0xc8: {  	v26 =	vld [tilespmem:s18+$0x1B300]  }
0xc9: {  	v24 =	vld [tilespmem:s19+$0xC00];
	v21 =	vadd.f32 v25, v21;
	v25 =	vmul.f32 $1.442695020e+00, v12;
	v19 =	vadd.f32 v27, v19  }
0xca: {  	v29 =	vadd.f32 $-2.500000000e-01, v12;
	v27 =	vld [tilespmem:s18+$0x1B700]  }
0xcb: {  	v20 =	vadd.f32 v20, v21;
	(erf) = vpow2.f32 v25;
	v25 =	vld [tilespmem:s18+$0x1BF00];
	v19 =	vadd.f32 v23, v19  }
0xcc: {  	v23 =	vld [tilespmem:s19+$0x1000]  }
0xcd: {  	v21 =	vmul.f32 $1.442695020e+00, v29;
	v20 =	vadd.f32 v22, v20;
	v22 =	vld [tilespmem:s19+$0x1800];
	v19 =	vadd.f32 v26, v19  }
0xce: {  	v26 =	vld [tilespmem:s19+$0x1400]  }
0xcf: {  	(erf) = vpow2.f32 v21;
	v21 =	vadd.f32 v24, v20;
	v24 =	vld [tilespmem:s19+$0x1C00];
	v19 =	vadd.f32 v27, v19  }
0xd0: {  	v27 =	vld [tilespmem:s18+$0x1C300];
	s18 =	simm.s32 $0x1A730  }
0xd1: {  	v20 =	vld [tilespmem:s18+$0xFFFFF800];
	v23 =	vadd.f32 v23, v21;
	v19 =	vadd.f32 v28, v19  }
0xd2: {  	v21 =	vld [tilespmem:s18+$0xFFFFF400]  }
0xd3: {  	v23 =	vadd.f32 v26, v23;
	v19 =	vadd.f32 v25, v19;
	v25 =	vld [tilespmem:s18+$0xFFFFDFF0]  }
0xd4: {  	v26 =	vld [tilespmem:s18+$0xFFFFE400]  }
0xd5: {  	v23 =	vadd.f32 v22, v23;
	v22 =	vld [tilespmem:s17+$0x19F00];
	v19 =	vadd.f32 v27, v19  }
0xd6: {  	v28 =	vpop (erf);
	v27 =	vld [tilespmem:s18+$0xFFFFE000]  }
0xd7: {  	v24 =	vadd.f32 v24, v23;
	v31 =	vmul.f32 v19, v28;
	v28 =	vld [tilespmem:s18+$0xFFFFE800]  }
0xd8: {  	s19 =	simm.s32 $0x1C710;
	v32 =	vpop (erf);
	v23 =	vimm.f32 $0.0e+00;
	v19 =	vadd.f32 $-2.500000000e-01, v29;
	v29 =	vld [tilespmem:s18+$0xFFFFEC00];
	v30 =	vadd.f32 v30, v25  }
0xd9: {  	s21 =	simm.s32 $0x2;
	s22 =	simm.s32 $0x40;
	s20 =	simm.s32 $0x1C710;
	v25 =	vld [tilespmem:s18+$0xFFFFF000];
	v24 =	vmul.f32 v24, v32;
	[tilespmem:s19+$0xFFFFFFF0] =	vst v31;
	v23 =	vadd.f32 v31, v23  }
.LBB2_12:
0xda: {  	s23 =	sand.u32 $0x3E0, s22;
	s21 =	sadd.s32 $0x2, s21;
	v30 =	vadd.f32 v18, v30;
	v31 =	vld [tilespmem:s17+$0x19B00];
	s19 =	sadd.s32 $0x20, s19  }
0xdb: {  	v26 =	vadd.f32 v26, v27;
	v32 =	vld [tilespmem:s23+$0x18B00];
	p0 =	slt.u32 s21, $0x3E;
	[tilespmem:s20+$0x0] =	vst v24;
	v23 =	vadd.f32 v24, v23;
	s20 =	smov.u32 s19  }
0xdc: {  	v18 =	vld [tilespmem:s23+$0x18F00];
	v24 =	vadd.f32 v17, v30  }
0xdd: {  	v26 =	vadd.f32 v28, v26;
	v17 =	vld [tilespmem:s23+$0x19300]  }
0xde: {  	v24 =	vadd.f32 v16, v24;
	v16 =	vld [tilespmem:s23+$0x19700]  }
0xdf: {  	v26 =	vadd.f32 v29, v26;
	v27 =	vld [tilespmem:s17+$0x1A300]  }
0xe0: {  	v24 =	vadd.f32 v31, v24;
	v28 =	vld [tilespmem:s18+$0xFFFFFC00]  }
0xe1: {  	v25 =	vadd.f32 v25, v26;
	v29 =	vld [tilespmem:s17+$0x1A700]  }
0xe2: {  	v22 =	vadd.f32 v22, v24;
	v24 =	vld [tilespmem:s18+$0x0]  }
0xe3: {  	v21 =	vadd.f32 v21, v25;
	v26 =	vld [tilespmem:s17+$0x1AB00]  }
0xe4: {  	v22 =	vadd.f32 v27, v22;
	v25 =	vld [tilespmem:s18+$0x400]  }
0xe5: {  	v20 =	vadd.f32 v20, v21;
	v27 =	vld [tilespmem:s17+$0x1AF00]  }
0xe6: {  	v21 =	vadd.f32 v29, v22;
	v22 =	vld [tilespmem:s18+$0x800]  }
0xe7: {  	v20 =	vadd.f32 v28, v20;
	v29 =	vld [tilespmem:s17+$0x1B300]  }
0xe8: {  	v21 =	vadd.f32 v26, v21;
	v26 =	vld [tilespmem:s18+$0xC00]  }
0xe9: {  	v20 =	vadd.f32 v24, v20;
	v28 =	vld [tilespmem:s17+$0x1B700]  }
0xea: {  	v24 =	vmul.f32 $1.442695020e+00, v19;
	v19 =	vadd.f32 $-2.500000000e-01, v19;
	v21 =	vadd.f32 v27, v21;
	v27 =	vld [tilespmem:s18+$0x1000]  }
0xeb: {  	v20 =	vadd.f32 v25, v20;
	v30 =	vld [tilespmem:s17+$0x1BB00]  }
0xec: {  	v21 =	vadd.f32 v29, v21;
	v25 =	vld [tilespmem:s18+$0x1400];
	v29 =	vmul.f32 $1.442695020e+00, v19;
	(erf) = vpow2.f32 v24  }
0xed: {  	v20 =	vadd.f32 v22, v20;
	v19 =	vadd.f32 $-2.500000000e-01, v19;
	v24 =	vld [tilespmem:s17+$0x1BF00]  }
0xee: {  	v21 =	vadd.f32 v28, v21;
	v22 =	vld [tilespmem:s18+$0x1800];
	(erf) = vpow2.f32 v29  }
0xef: {  	v26 =	vadd.f32 v26, v20;
	v28 =	vld [tilespmem:s17+$0x1C300];
	s17 =	smov.u32 s23  }
0xf0: {  	v29 =	vadd.f32 v30, v21;
	v30 =	vld [tilespmem:s18+$0x1C00];
	s18 =	sadd.s32 $0x20, s18  }
0xf1: {  	v26 =	vadd.f32 v27, v26;
	v20 =	vld [tilespmem:s18+$0xFFFFF800]  }
0xf2: {  	v21 =	vld [tilespmem:s18+$0xFFFFF400];
	v24 =	vadd.f32 v24, v29  }
0xf3: {  	v25 =	vadd.f32 v25, v26;
	v29 =	vld [tilespmem:s18+$0xFFFFDFF0]  }
0xf4: {  	v26 =	vld [tilespmem:s18+$0xFFFFE400];
	v24 =	vadd.f32 v28, v24  }
.Ltmp5:
0xf5: {  	v25 =	vadd.f32 v22, v25;
	v27 =	vld [tilespmem:s18+$0xFFFFE000];
	v28 =	vpop (erf);
	(pc) =	sbr.rel @p0 .LBB2_12-.Ltmp5, $4  }
0xf6: {  	v22 =	vld [tilespmem:s17+$0x19F00];
	v24 =	vmul.f32 v24, v28  }
0xf7: {  	v31 =	vadd.f32 v30, v25;
	v28 =	vld [tilespmem:s18+$0xFFFFE800];
	v33 =	vpop (erf)  }
0xf8: {  	v30 =	vadd.f32 v32, v29;
	v25 =	vld [tilespmem:s18+$0xFFFFF000];
	[tilespmem:s19+$0xFFFFFFF0] =	vst v24;
	v23 =	vadd.f32 v24, v23  }
0xf9: {  	s22 =	sadd.s32 $0x20, s22;
	v24 =	vmul.f32 v31, v33;
	v29 =	vld [tilespmem:s18+$0xFFFFEC00]  }
0xfa: {  	v26 =	vadd.f32 v26, v27  }
0xfb: {  	v18 =	vadd.f32 v18, v30  }
0xfc: {  	v27 =	vld [tilespmem:s17+$0x19B00];
	v26 =	vadd.f32 v28, v26  }
0xfd: {  	v17 =	vadd.f32 v17, v18  }
0xfe: {  	v18 =	vadd.f32 v29, v26  }
0xff: {  	v16 =	vadd.f32 v16, v17  }
0x100: {  	v17 =	vld [tilespmem:s17+$0x1A300];
	v18 =	vadd.f32 v25, v18  }
0x101: {  	v16 =	vadd.f32 v27, v16;
	v25 =	vld [tilespmem:s18+$0xFFFFFC00]  }
0x102: {  	v26 =	vld [tilespmem:s17+$0x1A700];
	v18 =	vadd.f32 v21, v18  }
0x103: {  	v16 =	vadd.f32 v22, v16;
	v21 =	vld [tilespmem:s18+$0x0]  }
0x104: {  	v22 =	vld [tilespmem:s17+$0x1AB00];
	v18 =	vadd.f32 v20, v18  }
0x105: {  	v16 =	vadd.f32 v17, v16;
	v17 =	vld [tilespmem:s18+$0x400]  }
0x106: {  	v20 =	vld [tilespmem:s17+$0x1AF00];
	v18 =	vadd.f32 v25, v18  }
0x107: {  	v16 =	vadd.f32 v26, v16;
	v25 =	vld [tilespmem:s18+$0x800]  }
0x108: {  	v26 =	vld [tilespmem:s17+$0x1B300];
	v18 =	vadd.f32 v21, v18  }
0x109: {  	v16 =	vadd.f32 v22, v16;
	v21 =	vld [tilespmem:s18+$0xC00]  }
0x10a: {  	v27 =	vadd.f32 $-2.500000000e-01, v19;
	v22 =	vld [tilespmem:s17+$0x1B700];
	v17 =	vadd.f32 v17, v18  }
0x10b: {  	v16 =	vadd.f32 v20, v16;
	v18 =	vmul.f32 $1.442695020e+00, v19;
	v19 =	vld [tilespmem:s18+$0x1000]  }
0x10c: {  	v27 =	vmul.f32 $1.442695020e+00, v27;
	v20 =	vld [tilespmem:s17+$0x1BB00];
	v17 =	vadd.f32 v25, v17  }
0x10d: {  	v16 =	vadd.f32 v26, v16;
	v25 =	vld [tilespmem:s18+$0x1400];
	(erf) = vpow2.f32 v18  }
0x10e: {  	v18 =	vld [tilespmem:s17+$0x1BF00];
	(erf) = vpow2.f32 v27;
	v17 =	vadd.f32 v21, v17  }
0x10f: {  	v16 =	vadd.f32 v22, v16;
	v21 =	vld [tilespmem:s18+$0x1800]  }
0x110: {  	v22 =	vld [tilespmem:s17+$0x1C300];
	v17 =	vadd.f32 v19, v17  }
0x111: {  	v16 =	vadd.f32 v20, v16;
	v19 =	vld [tilespmem:s18+$0x1C00]  }
0x112: {  	v17 =	vadd.f32 v25, v17  }
0x113: {  	v16 =	vadd.f32 v18, v16  }
0x114: {  	v17 =	vadd.f32 v21, v17  }
0x115: {  	v16 =	vadd.f32 v22, v16  }
0x116: {  	v18 =	vpop (erf);
	v17 =	vadd.f32 v19, v17  }
0x117: {  	v19 =	vadd.f32 v24, v23;
	v16 =	vmul.f32 v16, v18;
	v18 =	vpop (erf)  }
0x118: {  	s26 =	sadd.s32 $0x20, s19;
	[tilespmem:s20+$0x0] =	vst v24;
	v17 =	vmul.f32 v17, v18  }
0x119: {  	[tilespmem:s26+$0xFFFFFFF0] =	vst v16;
	v16 =	vadd.f32 v16, v19  }
0x11a: {  	s28 =	simm.s32 $0x0;
	[tilespmem:s26+$0x0] =	vst v17  }
0x11b: {  	v16 =	vadd.f32 v17, v16;
	v17 =	vld [tilespmem:s28+$0x1C700];
	_ =	sdelay $0x1  }
0x11c: {  	v18 =	vperm.xlane v16, v3;
	_ =	sdelay $0x1  }
0x11d: {  	v16 =	vadd.f32 v18, v16  }
0x11e: {  	(xrf2) =	vadd.scan.msk.f32 $0xffff, v17  }
0x11f: {  	s29 =	simm.s32 $0x10;
	v19 =	vperm.xlane v16, v1  }
0x120: {  	v18 =	vld [tilespmem:s29+$0x1C700]  }
0x121: {  	v16 =	vadd.f32 v19, v16;
	_ =	sdelay $0x1  }
0x122: {  	v19 =	vperm.xlane v16, v5;
	_ =	sdelay $0x1  }
0x123: {  	(xrf2) =	vadd.scan.msk.f32 $0xffff, v18;
	v16 =	vadd.f32 v19, v16  }
0x124: {  	s30 =	simm.s32 $0x20  }
0x125: {  	v21 =	vld [tilespmem:s30+$0x1C700];
	v19 =	vperm.xlane v16, v6  }
0x126: {  	v23, _, _ =	vpop (xrf2)  }
0x127: {  	v16 =	vadd.f32 v19, v16;
	v19 =	vsub.f32 v23, v17  }
0x128: {  	v22 =	vimm.f32 $0.0e+00  }
0x129: {  	v20 =	vmul.f32 $9.499999880e-01, v16;
	v16 =	vadd.f32 v19, v22  }
0x12a: {  	s31 =	simm.s32 $0x30;
	(xrf2) =	vadd.scan.msk.f32 $0xffff, v21  }
0x12b: {  	vm1 =	vle.f32 v16, v20;
	v16 =	vperm.xlane v23, v13;
	v23 =	vld [tilespmem:s31+$0x1C700];
	_ =	sdelay $0x1  }
0x12c: {  	v25, _, _ =	vpop (xrf2)  }
0x12d: {  	v27 =	vsub.f32 v25, v18;
	v26 =	vnsel vm1, $0x0, v17  }
0x12e: {  	s17 =	simm.s32 $0x100;
	v17 =	vmovc v12;
	v24 =	vadd.f32 v16, v22;
	v19 =	vmul.f32 v26, v12;
	v16 =	vimm.f32 $0.0e+00  }
.LBB2_14:
0x12f: {  	s18 =	sshra.s32 s17, $0x2;
	p0 =	sne.s32 s17, $0xFC0;
	s17 =	sadd.s32 $0x40, s17;
	(xrf2) =	vadd.scan.msk.f32 $0xffff, v23;
	v22 =	vadd.f32 v26, v22;
	v28 =	vmov v23  }
.Ltmp6:
0x130: {  	v23 =	vld [tilespmem:s18+$0x1C700];
	v26 =	vadd.f32 v27, v24;
	v16 =	vadd.f32 v19, v16;
	(pc) =	sbr.rel @p0 .LBB2_14-.Ltmp6, $4  }
0x131: {  	_ = 	snop  }
0x132: {  	v17 =	vadd.f32 $-2.500000000e-01, v17;
	v19 =	vperm.xlane v25, v13;
	vm1 =	vle.f32 v26, v20  }
0x133: {  	v25, _, _ =	vpop (xrf2);
	v26 =	vnsel vm1, $0x0, v18;
	v18 =	vmov v21;
	v21 =	vmov v28  }
0x134: {  	v24 =	vadd.f32 v19, v24;
	v27 =	vsub.f32 v25, v18;
	v19 =	vmul.f32 v26, v17  }
0x135: {  	(xrf2) =	vadd.scan.msk.f32 $0xffff, v23;
	_ =	sdelay $0x5  }
0x136: {  	v25 =	vperm.xlane v25, v13  }
0x137: {  	v28, _, _ =	vpop (xrf2)  }
0x138: {  	v25 =	vadd.f32 v25, v24;
	v29 =	vsub.f32 v28, v21  }
0x139: {  	v46 =	vadd.f32 v27, v24;
	v47 =	vperm.xlane v28, v13  }
0x13a: {  	v22 =	vadd.f32 v26, v22;
	v48 =	vadd.f32 v29, v25;
	v49, _, _ =	vpop (xrf2)  }
0x13b: {  	vm1 =	vle.f32 v46, v20;
	v25 =	vadd.f32 v47, v25;
	v50 =	vsub.f32 v49, v23  }
0x13c: {  	v18 =	vnsel vm1, $0x0, v18  }
0x13d: {  	v22 =	vadd.f32 v18, v22;
	vm1 =	vle.f32 v48, v20;
	v24 =	vadd.f32 v50, v25  }
0x13e: {  	v51 =	vnsel vm1, $0x0, v21  }
0x13f: {  	v22 =	vadd.f32 v51, v22;
	vm1 =	vle.f32 v24, v20  }
0x140: {  	v20 =	vnsel vm1, $0x0, v23  }
0x141: {  	v22 =	vadd.f32 v20, v22;
	_ =	sdelay $0x1  }
0x142: {  	v52 =	vperm.xlane v22, v3;
	_ =	sdelay $0x1  }
0x143: {  	v22 =	vadd.f32 v52, v22;
	_ =	sdelay $0x1  }
0x144: {  	v23 =	vperm.xlane v22, v4;
	_ =	sdelay $0x1  }
0x145: {  	v22 =	vadd.f32 v23, v22;
	_ =	sdelay $0x1  }
0x146: {  	v23 =	vperm.xlane v22, v7;
	_ =	sdelay $0x1  }
0x147: {  	v22 =	vadd.f32 v23, v22;
	_ =	sdelay $0x1  }
0x148: {  	v23 =	vperm.xlane v22, v8;
	_ =	sdelay $0x1  }
0x149: {  	v22 =	vadd.f32 v23, v22;
	_ =	sdelay $0x1  }
0x14a: {  	v23 =	vshrl.u32 v22, $0x17;
	v53 =	vand.u32 $0x7FFFFF, v22  }
0x14b: {  	v23 =	vadd.s32 $0xFFFFFF81, v23;
	v24 =	vor.u32 $0x3F800000, v53  }
0x14c: {  	v23 =	vcvt.s32.f32 v23;
	v24 =	vadd.f32 $-1.000000000e+00, v24;
	_ =	sdelay $0x1  }
0x14d: {  	v23 =	vmul.f32 $6.931471820e-01, v23;
	v24 =	vmul.f32 $6.931471820e-01, v24;
	_ =	sdelay $0x1  }
0x14e: {  	v23 =	vadd.f32 v24, v23;
	_ =	sdelay $0x1  }
0x14f: {  	v24 =	vsub.f32 $0.0e+00, v23;
	_ =	sdelay $0x1  }
0x150: {  	v24 =	vmul.f32 $1.442695020e+00, v24;
	_ =	sdelay $0x1  }
0x151: {  	(erf) = vpow2.f32 v24;
	_ =	sdelay $0x8  }
0x152: {  	v24 =	vpop (erf)  }
0x153: {  	v24 =	vmul.f32 v24, v22;
	_ =	sdelay $0x1  }
0x154: {  	v23 =	vadd.f32 v24, v23;
	_ =	sdelay $0x1  }
0x155: {  	v23 =	vadd.f32 $-1.000000000e+00, v23;
	_ =	sdelay $0x1  }
0x156: {  	v54 =	vsub.f32 $0.0e+00, v23;
	_ =	sdelay $0x1  }
0x157: {  	v24 =	vmul.f32 $1.442695020e+00, v54;
	_ =	sdelay $0x1  }
0x158: {  	(erf) = vpow2.f32 v24;
	_ =	sdelay $0x6  }
0x159: {  	v17 =	vadd.f32 $-2.500000000e-01, v17;
	_ =	sdelay $0x1  }
0x15a: {  	v16 =	vadd.f32 v19, v16;
	v18 =	vmul.f32 v18, v17;
	v55 =	vpop (erf)  }
0x15b: {  	v17 =	vadd.f32 $-2.500000000e-01, v17;
	v19 =	vmul.f32 v55, v22  }
0x15c: {  	v16 =	vadd.f32 v18, v16  }
0x15d: {  	v56 =	vmul.f32 v51, v17;
	v17 =	vadd.f32 $-2.500000000e-01, v17;
	v19 =	vadd.f32 v19, v23;
	_ =	sdelay $0x1  }
0x15e: {  	v16 =	vadd.f32 v56, v16;
	v17 =	vmul.f32 v20, v17;
	v57 =	vadd.f32 $-1.000000000e+00, v19;
	_ =	sdelay $0x1  }
0x15f: {  	v16 =	vadd.f32 v17, v16;
	v58 =	vsub.f32 $0.0e+00, v57;
	_ =	sdelay $0x1  }
0x160: {  	v59 =	vperm.xlane v16, v3;
	v17 =	vmul.f32 $1.442695020e+00, v58;
	_ =	sdelay $0x1  }
0x161: {  	v16 =	vadd.f32 v59, v16;
	(erf) = vpow2.f32 v17;
	_ =	sdelay $0x1  }
0x162: {  	v60 =	vperm.xlane v16, v4;
	_ =	sdelay $0x1  }
0x163: {  	v16 =	vadd.f32 v60, v16;
	(erf) = vrcp.f32 v22;
	_ =	sdelay $0x1  }
0x164: {  	v17 =	vperm.xlane v16, v7;
	_ =	sdelay $0x1  }
0x165: {  	v16 =	vadd.f32 v17, v16  }
0x166: {  	v61 =	vpop (erf)  }
0x167: {  	v62 =	vperm.xlane v16, v8;
	v17 =	vmul.f32 v61, v22;
	_ =	sdelay $0x1  }
0x168: {  	v16 =	vadd.f32 v62, v16;
	v17 =	vadd.f32 v17, v57  }
0x169: {  	v63 =	vpop (erf)  }
0x16a: {  	v16 =	vmul.f32 v16, v63;
	v17 =	vadd.f32 $-1.000000000e+00, v17;
	_ =	sdelay $0x1  }
0x16b: {  	v16 =	vsub.f32 v16, v17;
	_ =	sdelay $0x1  }
0x16c: {  	[tilespmem:$0x1CB80] =	vst v16  }
0x16d: {  	[hbm4b:s4+s1] =	stream.linear.scatter [tilespmem:s14], [sflag:$0x1], $0x80, $0x38;
	[tilespmem:$0x1CC00] =	vst v63  }
0x16e: {  	_ =	swait.ge [sflag:s12], $0x80  }
0x16f: {  	vm1 =	vlt.s32 v14, v15;
	[sflag:s12] =	ssyncset.done $0x0  }
0x170: {  	v14 =	vsel vm1, v14, v15;
	[sflag:s12] =	ssyncadd.s32 $0xFFFFFF80  }
0x171: {  	[tilespmem:$0x1CB00] =	vst v14  }
0x172: {  	[hbm4b:s5+s1] =	stream.linear.scatter [tilespmem:s15], [sflag:$0x1], $0x80, $0x38;
	[tilespmem:$0x1CC00] =	vst v63  }
0x173: {  	_ =	swait.ge [sflag:s12], $0x80  }
0x174: {  	[sflag:s12] =	ssyncset.done $0x0  }
0x175: {  	[sflag:s12] =	ssyncadd.s32 $0xFFFFFF80  }
0x176: {  	[tilespmem:s1], [sflag:$0x1] =	stream.strided.gather [hbm4b:s6+s10], $0x18700, s11, s10, $0x38;
	[tilespmem:$0x1CC00] =	vst v63  }
0x177: {  	_ =	swait.ge [sflag:s12], $0x18700  }
0x178: {  	[sflag:s12] =	ssyncset.done $0x0  }
0x179: {  	s17 =	simm.s32 $0x18740;
	[sflag:s12] =	ssyncadd.s32 $0xFFFE7900  }
0x17a: {  	[tilespmem:s17+$0xFFFFFFC0] =	vst v0  }
0x17b: {  	[tilespmem:s17+$0x30] =	vst v0  }
0x17c: {  	[tilespmem:s17+$0x20] =	vst v0  }
0x17d: {  	[tilespmem:s17+$0x10] =	vst v0  }
0x17e: {  	[tilespmem:s17+$0x0] =	vst v0  }
0x17f: {  	[tilespmem:s17+$0xFFFFFFF0] =	vst v0  }
0x180: {  	s18 =	simm.s32 $0x0;
	[tilespmem:s17+$0xFFFFFFE0] =	vst v0  }
.LBB2_16:
0x181: {  	s18 =	sadd.s32 $0x8, s18;
	[tilespmem:s17+$0xFFFFFFD0] =	vst v0;
	s17 =	sadd.s32 $0x80, s17  }
0x182: {  	[tilespmem:s17+$0xFFFFFFC0] =	vst v0;
	p0 =	slt.u32 s18, $0x3F8  }
0x183: {  	[tilespmem:s17+$0x30] =	vst v0  }
.Ltmp7:
0x184: {  	[tilespmem:s17+$0x20] =	vst v0;
	(pc) =	sbr.rel @p0 .LBB2_16-.Ltmp7, $4  }
0x185: {  	[tilespmem:s17+$0x10] =	vst v0  }
0x186: {  	[tilespmem:s17+$0x0] =	vst v0  }
0x187: {  	[tilespmem:s17+$0xFFFFFFF0] =	vst v0  }
0x188: {  	s19 =	simm.s32 $0x40;
	[tilespmem:s17+$0xFFFFFFE0] =	vst v0  }
0x189: {  	[tilespmem:s17+$0xFFFFFFD0] =	vst v0  }
0x18a: {  	v14 =	vld [tilespmem:s19+$0xFFFFFFC0];
	_ =	sdelay $0x1  }
0x18b: {  	v15 =	vld [tilespmem:s19+$0xFFFFFFD0];
	_ =	sdelay $0x1  }
0x18c: {  	v16 =	vimm.f32 $-Inf;
	v17 =	vld [tilespmem:s19+$0xFFFFFFE0]  }
0x18d: {  	vm1 =	vgt.f32 v14, v16  }
0x18e: {  	v14 =	vsel vm1, v14, v16;
	v16 =	vld [tilespmem:s19+$0xFFFFFFF0]  }
0x18f: {  	vm2 =	vgt.f32 v15, v14  }
0x190: {  	v14 =	vsel vm2, v15, v14  }
0x191: {  	s26 =	simm.s32 $0x0;
	vm3 =	vgt.f32 v17, v14  }
0x192: {  	s28 =	simm.s32 $0x10;
	v18 =	vld [tilespmem:s19+$0x0];
	v19 =	vor.u32 s26, v2;
	v15 =	vimm.s32 $0x0;
	v17 =	vsel vm3, v17, v14  }
0x193: {  	s29 =	simm.s32 $0x20;
	v15 =	vsel vm1, v19, v15;
	v19 =	vor.u32 s28, v2;
	vm1 =	vgt.f32 v16, v17  }
0x194: {  	s30 =	simm.s32 $0x30;
	v14 =	vld [tilespmem:s19+$0x10];
	v15 =	vsel vm2, v19, v15;
	v16 =	vsel vm1, v16, v17;
	v17 =	vor.u32 s29, v2  }
0x195: {  	v15 =	vsel vm3, v17, v15;
	v17 =	vor.u32 s30, v2  }
0x196: {  	v19 =	vsel vm1, v17, v15;
	v15 =	vld [tilespmem:s19+$0x20]  }
0x197: {  	s31 =	simm.s32 $0x40;
	vm2 =	vgt.f32 v18, v16  }
0x198: {  	s20 =	simm.s32 $0x50;
	v20 =	vor.u32 s31, v2;
	v17 =	vsel vm2, v18, v16;
	v16 =	vld [tilespmem:s19+$0x30]  }
0x199: {  	s17 =	simm.s32 $0x70;
	s18 =	simm.s32 $0x0;
	s19 =	simm.s32 $0xC0;
	v18 =	vsel vm2, v20, v19;
	v19 =	vor.u32 s20, v2;
	vm1 =	vgt.f32 v14, v17  }
.LBB2_18:
0x19a: {  	v20 =	vld [tilespmem:s19+$0xFFFFFFC0];
	s18 =	sadd.s32 $0x8, s18;
	v18 =	vsel vm1, v19, v18;
	v14 =	vsel vm1, v14, v17;
	s20 =	sadd.s32 $0xFFFFFFF0, s17  }
0x19b: {  	p0 =	slt.u32 s18, $0x1860;
	v17 =	vor.u32 s20, v2;
	vm1 =	vgt.f32 v15, v14  }
0x19c: {  	v19 =	vld [tilespmem:s19+$0xFFFFFFD0];
	v17 =	vsel vm1, v17, v18;
	v14 =	vsel vm1, v15, v14  }
0x19d: {  	v15 =	vor.u32 s17, v2;
	s17 =	sadd.s32 $0x80, s17;
	vm1 =	vgt.f32 v16, v14  }
0x19e: {  	s20 =	sadd.s32 $0xFFFFFF90, s17;
	v18 =	vld [tilespmem:s19+$0xFFFFFFE0];
	v15 =	vsel vm1, v15, v17;
	v14 =	vsel vm1, v16, v14  }
0x19f: {  	v16 =	vor.u32 s20, v2;
	vm1 =	vgt.f32 v20, v14  }
0x1a0: {  	s20 =	sadd.s32 $0xFFFFFFA0, s17;
	v15 =	vsel vm1, v16, v15;
	v14 =	vsel vm1, v20, v14;
	v16 =	vld [tilespmem:s19+$0xFFFFFFF0]  }
0x1a1: {  	v17 =	vor.u32 s20, v2;
	vm1 =	vgt.f32 v19, v14  }
0x1a2: {  	s20 =	sadd.s32 $0xFFFFFFB0, s17;
	v15 =	vsel vm1, v17, v15;
	v14 =	vsel vm1, v19, v14;
	v17 =	vld [tilespmem:s19+$0x0]  }
0x1a3: {  	v19 =	vor.u32 s20, v2;
	vm1 =	vgt.f32 v18, v14  }
0x1a4: {  	s20 =	sadd.s32 $0xFFFFFFC0, s17;
	v15 =	vsel vm1, v19, v15;
	v18 =	vsel vm1, v18, v14;
	v14 =	vld [tilespmem:s19+$0x10]  }
.Ltmp8:
0x1a5: {  	v19 =	vor.u32 s20, v2;
	vm1 =	vgt.f32 v16, v18;
	(pc) =	sbr.rel @p0 .LBB2_18-.Ltmp8, $4  }
0x1a6: {  	s20 =	sadd.s32 $0xFFFFFFD0, s17;
	v19 =	vsel vm1, v19, v15;
	v16 =	vsel vm1, v16, v18;
	v15 =	vld [tilespmem:s19+$0x20]  }
0x1a7: {  	v18 =	vor.u32 s20, v2;
	vm1 =	vgt.f32 v17, v16  }
0x1a8: {  	s20 =	sadd.s32 $0xFFFFFFE0, s17;
	v18 =	vsel vm1, v18, v19;
	v17 =	vsel vm1, v17, v16;
	v16 =	vld [tilespmem:s19+$0x30]  }
0x1a9: {  	v19 =	vor.u32 s20, v2;
	s19 =	sadd.s32 $0x80, s19;
	vm1 =	vgt.f32 v14, v17  }
0x1aa: {  	v14 =	vsel vm1, v14, v17  }
0x1ab: {  	s18 =	sadd.s32 $0xFFFFFFF0, s17;
	vm2 =	vgt.f32 v15, v14  }
0x1ac: {  	v17 =	vsel vm1, v19, v18;
	v63 =	vor.u32 s18, v2;
	v15 =	vsel vm2, v15, v14  }
0x1ad: {  	v14 =	vsel vm2, v63, v17;
	v17 =	vor.u32 s17, v2;
	vm1 =	vgt.f32 v16, v15  }
0x1ae: {  	s18 =	simm.s32 $0x18680;
	s17 =	simm.s32 $0x18680;
	v14 =	vsel vm1, v17, v14;
	v15 =	vsel vm1, v16, v15  }
.LBB2_20:
0x1af: {  	v16 =	vld [tilespmem:s17+$0x0]  }
0x1b0: {  	p0 =	sne.s32 s18, $0x18690  }
.Ltmp9:
0x1b1: {  	_ = 	snop;
	(pc) =	sbr.rel @p0 .LBB2_20-.Ltmp9, $3  }
0x1b2: {  	_ =	sdelay $0x1  }
0x1b3: {  	v17 =	vor.u32 s18, v2;
	vm1 =	vgt.f32 v16, v15  }
0x1b4: {  	s17 =	sadd.s32 $0x10, s17;
	s18 =	sadd.s32 $0x10, s18;
	v14 =	vsel vm1, v17, v14;
	v15 =	vsel vm1, v16, v15  }
0x1b5: {  	v16 =	vperm.xlane v15, v3;
	_ =	sdelay $0x1  }
0x1b6: {  	v16 =	vmax.f32 v15, v16  }
0x1b7: {  	v17 =	vperm.xlane v16, v4;
	_ =	sdelay $0x1  }
0x1b8: {  	v16 =	vmax.f32 v16, v17  }
0x1b9: {  	v17 =	vperm.xlane v16, v7;
	_ =	sdelay $0x1  }
0x1ba: {  	v16 =	vmax.f32 v16, v17  }
0x1bb: {  	s17 =	simm.s32 $0x40;
	v17 =	vperm.xlane v16, v8  }
0x1bc: {  	v18 =	vld [tilespmem:s17+$0xFFFFFFD0]  }
0x1bd: {  	v20 =	vld [tilespmem:s17+$0xFFFFFFF0];
	v16 =	vmax.f32 v16, v17  }
0x1be: {  	v21 =	vld [tilespmem:s17+$0x0];
	vm1 =	veq.f32 v15, v16  }
0x1bf: {  	v22 =	vld [tilespmem:s17+$0x10];
	v14 =	vnsel vm1, $0x7FFFFFFF, v14  }
0x1c0: {  	s31 =	simm.s32 $0xC0;
	v23 =	vld [tilespmem:s17+$0xFFFFFFC0];
	v15 =	vperm.xlane v14, v3  }
0x1c1: {  	v25 =	vld [tilespmem:s31+$0x30]  }
0x1c2: {  	vm1 =	vlt.s32 v14, v15  }
0x1c3: {  	v18 =	vsub.f32 v16, v18;
	v14 =	vsel vm1, v14, v15  }
0x1c4: {  	v17 =	vld [tilespmem:s17+$0x30];
	v20 =	vsub.f32 v16, v20;
	v21 =	vsub.f32 v16, v21;
	v15 =	vperm.xlane v14, v4  }
0x1c5: {  	v22 =	vsub.f32 v16, v22;
	v23 =	vsub.f32 v16, v23  }
0x1c6: {  	v25 =	vsub.f32 v16, v25;
	v18 =	vmul.f32 $6.400000000e+01, v18;
	vm1 =	vlt.s32 v14, v15  }
0x1c7: {  	v20 =	vmul.f32 $6.400000000e+01, v20;
	v21 =	vmul.f32 $6.400000000e+01, v21;
	v14 =	vsel vm1, v14, v15  }
0x1c8: {  	v22 =	vmul.f32 $6.400000000e+01, v22;
	v19 =	vperm.xlane v14, v7  }
0x1c9: {  	v23 =	vmul.f32 $6.400000000e+01, v23;
	v25 =	vmul.f32 $6.400000000e+01, v25;
	v17 =	vsub.f32 v16, v17  }
0x1ca: {  	v18 =	vmin.f32 v18, $1.023000000e+03;
	v20 =	vmin.f32 v20, $1.023000000e+03;
	v15 =	vld [tilespmem:s17+$0xFFFFFFE0];
	vm1 =	vlt.s32 v14, v19  }
0x1cb: {  	v21 =	vmin.f32 v21, $1.023000000e+03;
	v22 =	vmin.f32 v22, $1.023000000e+03;
	v14 =	vsel vm1, v14, v19;
	v19 =	vld [tilespmem:s17+$0x20]  }
0x1cc: {  	v23 =	vmin.f32 v23, $1.023000000e+03;
	v18 =	vtrunc.f32 v18;
	v20 =	vtrunc.f32 v20  }
0x1cd: {  	v25 =	vmin.f32 v25, $1.023000000e+03;
	v21 =	vtrunc.f32 v21;
	v23 =	vtrunc.f32 v23  }
0x1ce: {  	v22 =	vtrunc.f32 v22;
	v25 =	vtrunc.f32 v25  }
0x1cf: {  	v17 =	vmul.f32 $6.400000000e+01, v17;
	v23 =	vcvt.f32.s32 v23;
	v24 =	vsub.f32 v16, v15  }
0x1d0: {  	v26 =	vld [tilespmem:s31+$0xFFFFFFD0];
	v31 =	vcvt.f32.s32 v18;
	v20 =	vcvt.f32.s32 v20;
	v19 =	vsub.f32 v16, v19  }
0x1d1: {  	v32 =	vld [tilespmem:s31+$0x0];
	v18 =	vcvt.f32.s32 v22;
	v24 =	vmul.f32 $6.400000000e+01, v24  }
0x1d2: {  	v27 =	vld [tilespmem:s31+$0xFFFFFFE0];
	v17 =	vmin.f32 v17, $1.023000000e+03;
	v23 =	vadd.s32 v9, v23;
	v19 =	vmul.f32 $6.400000000e+01, v19  }
0x1d3: {  	v30 =	vld [tilespmem:s31+$0xFFFFFFF0];
	v33 =	vadd.s32 v9, v20;
	v17 =	vtrunc.f32 v17;
	v24 =	vmin.f32 v24, $1.023000000e+03  }
0x1d4: {  	v22 =	vld [tilespmem:s31+$0x20];
	v17 =	vcvt.f32.s32 v17;
	v24 =	vtrunc.f32 v24;
	v19 =	vmin.f32 v19, $1.023000000e+03  }
0x1d5: {  	v28 =	vtrunc.f32 v19;
	v19 =	vcvt.f32.s32 v21;
	v21 =	vsub.f32 v16, v26;
	v26 =	vld [tilespmem:s31+$0x10]  }
0x1d6: {  	v60 =	vld [tilespmem:s31+$0xFFFFFFC0];
	v20 =	vsub.f32 v16, v32;
	v29 =	vadd.s32 v9, v17;
	v24 =	vcvt.f32.s32 v24  }
0x1d7: {  	v27 =	vsub.f32 v16, v27;
	v25 =	vcvt.f32.s32 v25  }
0x1d8: {  	v30 =	vsub.f32 v16, v30;
	v61 =	vmul.f32 $6.400000000e+01, v20;
	v24 =	vadd.s32 v9, v24  }
0x1d9: {  	v20 =	vadd.s32 v9, v25;
	v17 =	vcvt.f32.s32 v28;
	v28 =	vadd.s32 v9, v31  }
0x1da: {  	v27 =	vmul.f32 $6.400000000e+01, v27;
	v62 =	vsub.f32 v16, v22;
	[tilespmem:v23+s13+$0x0] =	vst.idx.add.f32.msk $0xffff, v11;
	v26 =	vsub.f32 v16, v26  }
0x1db: {  	v23 =	vsub.f32 v16, v60;
	v15 =	vperm.xlane v14, v8;
	[tilespmem:v29+s13+$0x0] =	vst.idx.add.f32.msk $0xffff, v11;
	v29 =	vmul.f32 $6.400000000e+01, v30  }
0x1dc: {  	v25 =	vmin.f32 v27, $1.023000000e+03;
	[tilespmem:v33+s13+$0x0] =	vst.idx.add.f32.msk $0xffff, v11;
	v21 =	vmul.f32 $6.400000000e+01, v21;
	v63 =	vmul.f32 $6.400000000e+01, v26  }
0x1dd: {  	v27 =	vmul.f32 $6.400000000e+01, v23;
	v22 =	vmin.f32 v29, $1.023000000e+03;
	[tilespmem:v24+s13+$0x0] =	vst.idx.add.f32.msk $0xffff, v11;
	v26 =	vmul.f32 $6.400000000e+01, v62  }
0x1de: {  	s18 =	simm.s32 $0x140;
	s17 =	simm.s32 $0x8;
	v21 =	vmin.f32 v21, $1.023000000e+03;
	v24 =	vmin.f32 v61, $1.023000000e+03;
	[tilespmem:v28+s13+$0x0] =	vst.idx.add.f32.msk $0xffff, v11;
	v23 =	vmin.f32 v63, $1.023000000e+03  }
.LBB2_22:
0x1df: {  	v28 =	vld [tilespmem:s18+$0x30];
	s17 =	sadd.s32 $0x8, s17;
	v21 =	vtrunc.f32 v21;
	v25 =	vtrunc.f32 v25;
	v26 =	vmin.f32 v26, $1.023000000e+03  }
0x1e0: {  	v22 =	vtrunc.f32 v22;
	v24 =	vtrunc.f32 v24;
	v29 =	vld [tilespmem:s18+$0xFFFFFFD0];
	p0 =	slt.u32 s17, $0x1860;
	v27 =	vmin.f32 v27, $1.023000000e+03  }
0x1e1: {  	v23 =	vtrunc.f32 v23;
	v27 =	vtrunc.f32 v27;
	[tilespmem:v20+s13+$0x0] =	vst.idx.add.f32.msk $0xffff, v11;
	v20 =	vadd.s32 v9, v19  }
0x1e2: {  	v31 =	vadd.s32 v9, v18;
	v26 =	vtrunc.f32 v26;
	v30 =	vld [tilespmem:s18+$0xFFFFFFE0];
	v27 =	vcvt.f32.s32 v27  }
0x1e3: {  	v33 =	vadd.s32 v9, v17;
	v21 =	vcvt.f32.s32 v21;
	v25 =	vcvt.f32.s32 v25;
	v32 =	vld [tilespmem:s18+$0xFFFFFFF0]  }
0x1e4: {  	v22 =	vcvt.f32.s32 v22;
	v19 =	vcvt.f32.s32 v24;
	v34 =	vld [tilespmem:s18+$0x0];
	v28 =	vsub.f32 v16, v28  }
0x1e5: {  	v18 =	vcvt.f32.s32 v23;
	v17 =	vcvt.f32.s32 v26;
	v24 =	vsub.f32 v16, v29;
	v29 =	vld [tilespmem:s18+$0x10]  }
0x1e6: {  	v27 =	vadd.s32 v9, v27;
	v23 =	vld [tilespmem:s18+$0x20];
	v26 =	vmul.f32 $6.400000000e+01, v28;
	v28 =	vadd.s32 v9, v21  }
0x1e7: {  	v35 =	vld [tilespmem:s18+$0xFFFFFFC0];
	v21 =	vmul.f32 $6.400000000e+01, v24;
	v24 =	vsub.f32 v16, v30;
	v30 =	vadd.s32 v9, v25  }
0x1e8: {  	v25 =	vsub.f32 v16, v32;
	v26 =	vmin.f32 v26, $1.023000000e+03;
	v32 =	vadd.s32 v9, v22;
	[tilespmem:v20+s13+$0x0] =	vst.idx.add.f32.msk $0xffff, v11  }
0x1e9: {  	v22 =	vmul.f32 $6.400000000e+01, v24;
	v20 =	vsub.f32 v16, v34;
	v24 =	vtrunc.f32 v26;
	[tilespmem:v31+s13+$0x0] =	vst.idx.add.f32.msk $0xffff, v11  }
.Ltmp10:
0x1ea: {  	v26 =	vmul.f32 $6.400000000e+01, v25;
	v25 =	vsub.f32 v16, v29;
	v24 =	vcvt.f32.s32 v24;
	[tilespmem:v33+s13+$0x0] =	vst.idx.add.f32.msk $0xffff, v11;
	(pc) =	sbr.rel @p0 .LBB2_22-.Ltmp10, $4  }
0x1eb: {  	v21 =	vmin.f32 v21, $1.023000000e+03;
	v29 =	vmul.f32 $6.400000000e+01, v20;
	v23 =	vsub.f32 v16, v23;
	[tilespmem:v27+s13+$0x0] =	vst.idx.add.f32.msk $0xffff, v11  }
0x1ec: {  	v27 =	vsub.f32 v16, v35;
	v31 =	vmul.f32 $6.400000000e+01, v25;
	v20 =	vadd.s32 v9, v24;
	[tilespmem:v28+s13+$0x0] =	vst.idx.add.f32.msk $0xffff, v11  }
0x1ed: {  	v25 =	vmin.f32 v22, $1.023000000e+03;
	v22 =	vmin.f32 v26, $1.023000000e+03;
	v26 =	vmul.f32 $6.400000000e+01, v23;
	[tilespmem:v30+s13+$0x0] =	vst.idx.add.f32.msk $0xffff, v11  }
0x1ee: {  	s18 =	sadd.s32 $0x80, s18;
	v24 =	vmin.f32 v29, $1.023000000e+03;
	v27 =	vmul.f32 $6.400000000e+01, v27;
	v23 =	vmin.f32 v31, $1.023000000e+03;
	[tilespmem:v32+s13+$0x0] =	vst.idx.add.f32.msk $0xffff, v11  }
0x1ef: {  	v21 =	vtrunc.f32 v21  }
0x1f0: {  	v19 =	vadd.s32 v9, v19;
	v25 =	vtrunc.f32 v25;
	v18 =	vadd.s32 v9, v18  }
0x1f1: {  	v26 =	vmin.f32 v26, $1.023000000e+03;
	v17 =	vadd.s32 v9, v17;
	v21 =	vcvt.f32.s32 v21  }
0x1f2: {  	v22 =	vtrunc.f32 v22;
	v27 =	vmin.f32 v27, $1.023000000e+03;
	v25 =	vcvt.f32.s32 v25  }
0x1f3: {  	v60 =	vcvt.f32.s32 v22;
	v27 =	vtrunc.f32 v27;
	v21 =	vadd.s32 v9, v21  }
0x1f4: {  	v24 =	vtrunc.f32 v24;
	[tilespmem:v20+s13+$0x0] =	vst.idx.add.f32.msk $0xffff, v11;
	v27 =	vcvt.f32.s32 v27;
	v63 =	vadd.s32 v9, v25  }
0x1f5: {  	v61 =	vtrunc.f32 v23;
	v62 =	vcvt.f32.s32 v24;
	v20 =	vadd.s32 v9, v60;
	[tilespmem:v19+s13+$0x0] =	vst.idx.add.f32.msk $0xffff, v11  }
0x1f6: {  	v22 =	vcvt.f32.s32 v61;
	v27 =	vadd.s32 v9, v27;
	v19 =	vtrunc.f32 v26;
	[tilespmem:v18+s13+$0x0] =	vst.idx.add.f32.msk $0xffff, v11  }
0x1f7: {  	[tilespmem:v17+s13+$0x0] =	vst.idx.add.f32.msk $0xffff, v11;
	v17 =	vadd.s32 v9, v62;
	v18 =	vcvt.f32.s32 v19  }
0x1f8: {  	v19 =	vadd.s32 v9, v22;
	[tilespmem:v21+s13+$0x0] =	vst.idx.add.f32.msk $0xffff, v11  }
0x1f9: {  	v18 =	vadd.s32 v9, v18;
	[tilespmem:v63+s13+$0x0] =	vst.idx.add.f32.msk $0xffff, v11  }
0x1fa: {  	[tilespmem:v20+s13+$0x0] =	vst.idx.add.f32.msk $0xffff, v11  }
0x1fb: {  	[tilespmem:v27+s13+$0x0] =	vst.idx.add.f32.msk $0xffff, v11  }
0x1fc: {  	[tilespmem:v17+s13+$0x0] =	vst.idx.add.f32.msk $0xffff, v11  }
0x1fd: {  	[tilespmem:v19+s13+$0x0] =	vst.idx.add.f32.msk $0xffff, v11  }
0x1fe: {  	s17 =	simm.s32 $0x0;
	s18 =	simm.s32 $0x0;
	[tilespmem:v18+s13+$0x0] =	vst.idx.add.f32.msk $0xffff, v11  }
.LBB2_24:
0x1ff: {  	s19 =	sshra.s32 s18, $0x2  }
0x200: {  	v17 =	vld [tilespmem:s19+$0x18680];
	_ =	sdelay $0x4  }
0x201: {  	v17 =	vsub.f32 v16, v17;
	_ =	sdelay $0x1  }
0x202: {  	v17 =	vmul.f32 $6.400000000e+01, v17;
	_ =	sdelay $0x1  }
0x203: {  	v17 =	vmin.f32 v17, $1.023000000e+03  }
0x204: {  	v17 =	vtrunc.f32 v17  }
0x205: {  	v17 =	vcvt.f32.s32 v17;
	_ =	sdelay $0x1  }
0x206: {  	p0 =	sne.s32 s18, $0x40;
	v17 =	vadd.s32 v9, v17  }
.Ltmp11:
0x207: {  	_ = 	snop;
	(pc) =	sbr.rel @p0 .LBB2_24-.Ltmp11, $2  }
0x208: {  	_ =	sdelay $0x2  }
0x209: {  	s18 =	sadd.s32 $0x40, s18;
	[tilespmem:v17+s13+$0x0] =	vst.idx.add.f32.msk $0xffff, v11  }
0x20a: {  	s18 =	sand.u32 $0x3E0, s17  }
0x20b: {  	v16 =	vld [tilespmem:s18+$0x18B00]  }
0x20c: {  	v17 =	vld [tilespmem:s18+$0x18F00]  }
0x20d: {  	v18 =	vld [tilespmem:s18+$0x19300]  }
0x20e: {  	s19 =	simm.s32 $0x1A710;
	v20 =	vld [tilespmem:s18+$0x19700]  }
0x20f: {  	v21 =	vld [tilespmem:s19+$0xFFFFF800]  }
0x210: {  	v22 =	vld [tilespmem:s19+$0xFFFFF400]  }
0x211: {  	v19 =	vld [tilespmem:s19+$0xFFFFDFF0]  }
0x212: {  	v23 =	vld [tilespmem:s19+$0xFFFFE400]  }
0x213: {  	v24 =	vld [tilespmem:s19+$0xFFFFE000]  }
0x214: {  	v25 =	vld [tilespmem:s18+$0x19F00]  }
0x215: {  	v26 =	vld [tilespmem:s19+$0xFFFFE800]  }
0x216: {  	v27 =	vld [tilespmem:s19+$0xFFFFF000]  }
0x217: {  	v28 =	vld [tilespmem:s19+$0xFFFFEC00];
	v16 =	vadd.f32 v16, v19  }
0x218: {  	v29 =	vld [tilespmem:s18+$0x19B00]  }
0x219: {  	s31 =	simm.s32 $0x20;
	v31 =	vld [tilespmem:s19+$0x1800];
	v16 =	vadd.f32 v17, v16;
	v17 =	vadd.f32 v23, v24  }
0x21a: {  	s17 =	sand.u32 $0x3E0, s31;
	v33 =	vld [tilespmem:s19+$0x1C00]  }
0x21b: {  	v30 =	vld [tilespmem:s17+$0x18B00];
	v16 =	vadd.f32 v18, v16;
	v23 =	vadd.f32 v26, v17  }
0x21c: {  	v19 =	vld [tilespmem:s17+$0x18F00]  }
0x21d: {  	v24 =	vld [tilespmem:s19+$0xFFFFFC00];
	v16 =	vadd.f32 v20, v16;
	v23 =	vadd.f32 v28, v23  }
0x21e: {  	v20 =	vld [tilespmem:s18+$0x1A300]  }
0x21f: {  	v18 =	vld [tilespmem:s17+$0x19300];
	v16 =	vadd.f32 v29, v16;
	v23 =	vadd.f32 v27, v23  }
0x220: {  	v26 =	vld [tilespmem:s18+$0x1A700]  }
0x221: {  	v27 =	vld [tilespmem:s18+$0x1AB00];
	v16 =	vadd.f32 v25, v16;
	v22 =	vadd.f32 v22, v23  }
0x222: {  	v25 =	vld [tilespmem:s19+$0x0]  }
0x223: {  	v23 =	vld [tilespmem:s18+$0x1AF00];
	v16 =	vadd.f32 v20, v16;
	v21 =	vadd.f32 v21, v22  }
0x224: {  	v20 =	vld [tilespmem:s19+$0x400]  }
0x225: {  	v22 =	vld [tilespmem:s19+$0x800];
	v16 =	vadd.f32 v26, v16;
	v21 =	vadd.f32 v24, v21  }
0x226: {  	v26 =	vld [tilespmem:s18+$0x1B300]  }
0x227: {  	v28 =	vld [tilespmem:s18+$0x1B700];
	v24 =	vadd.f32 v27, v16;
	v21 =	vadd.f32 v25, v21;
	v16 =	vsel vm0, $0xBE680000, v10  }
0x228: {  	v27 =	vld [tilespmem:s19+$0xC00];
	v25 =	vmul.f32 $1.442695020e+00, v16;
	v32 =	vadd.f32 $-2.500000000e-01, v16  }
0x229: {  	v29 =	vld [tilespmem:s18+$0x1BB00];
	v23 =	vadd.f32 v23, v24;
	v20 =	vadd.f32 v20, v21  }
0x22a: {  	v24 =	vld [tilespmem:s19+$0x1000];
	(erf) = vpow2.f32 v25  }
0x22b: {  	v25 =	vld [tilespmem:s18+$0x1BF00];
	v21 =	vadd.f32 v26, v23;
	v26 =	vmul.f32 $1.442695020e+00, v32;
	v20 =	vadd.f32 v22, v20  }
0x22c: {  	v23 =	vld [tilespmem:s19+$0x1400]  }
0x22d: {  	v17 =	vld [tilespmem:s17+$0x19700];
	v21 =	vadd.f32 v28, v21;
	(erf) = vpow2.f32 v26;
	v20 =	vadd.f32 v27, v20  }
0x22e: {  	v26 =	vld [tilespmem:s18+$0x1C300];
	s18 =	simm.s32 $0x1A730  }
0x22f: {  	v22 =	vld [tilespmem:s18+$0xFFFFF400];
	v27 =	vadd.f32 v29, v21;
	v20 =	vadd.f32 v24, v20  }
0x230: {  	v28 =	vld [tilespmem:s18+$0xFFFFE000]  }
0x231: {  	v24 =	vadd.f32 v25, v27;
	v25 =	vld [tilespmem:s18+$0xFFFFDFF0];
	v20 =	vadd.f32 v23, v20  }
0x232: {  	v21 =	vld [tilespmem:s18+$0xFFFFF800]  }
0x233: {  	v29 =	vld [tilespmem:s18+$0xFFFFE800];
	v24 =	vadd.f32 v26, v24;
	v20 =	vadd.f32 v31, v20  }
0x234: {  	v27 =	vld [tilespmem:s18+$0xFFFFE400];
	v26 =	vpop (erf)  }
0x235: {  	v23 =	vld [tilespmem:s17+$0x19F00];
	v24 =	vmul.f32 v24, v26;
	v33 =	vadd.f32 v33, v20  }
0x236: {  	v34 =	vimm.f32 $0.0e+00;
	s19 =	simm.s32 $0x1C710;
	v26 =	vld [tilespmem:s18+$0xFFFFF000];
	v35 =	vpop (erf);
	v31 =	vadd.f32 v30, v25  }
0x237: {  	s21 =	simm.s32 $0x2;
	s22 =	simm.s32 $0x40;
	s20 =	simm.s32 $0x1C710;
	v20 =	vadd.f32 $-2.500000000e-01, v32;
	v30 =	vld [tilespmem:s18+$0xFFFFEC00];
	[tilespmem:s19+$0xFFFFFFF0] =	vst v24;
	v24 =	vadd.f32 v24, v34;
	v25 =	vmul.f32 v33, v35  }
.LBB2_26:
0x238: {  	s23 =	sand.u32 $0x3E0, s22;
	s21 =	sadd.s32 $0x2, s21;
	v31 =	vadd.f32 v19, v31;
	v32 =	vld [tilespmem:s17+$0x19B00];
	s19 =	sadd.s32 $0x20, s19  }
0x239: {  	v27 =	vadd.f32 v27, v28;
	v33 =	vld [tilespmem:s23+$0x18B00];
	p0 =	slt.u32 s21, $0x3E;
	[tilespmem:s20+$0x0] =	vst v25;
	v24 =	vadd.f32 v25, v24;
	s20 =	smov.u32 s19  }
0x23a: {  	v19 =	vld [tilespmem:s23+$0x18F00];
	v25 =	vadd.f32 v18, v31  }
0x23b: {  	v27 =	vadd.f32 v29, v27;
	v18 =	vld [tilespmem:s23+$0x19300]  }
0x23c: {  	v25 =	vadd.f32 v17, v25;
	v17 =	vld [tilespmem:s23+$0x19700]  }
0x23d: {  	v27 =	vadd.f32 v30, v27;
	v28 =	vld [tilespmem:s17+$0x1A300]  }
0x23e: {  	v25 =	vadd.f32 v32, v25;
	v29 =	vld [tilespmem:s18+$0xFFFFFC00]  }
0x23f: {  	v26 =	vadd.f32 v26, v27;
	v30 =	vld [tilespmem:s17+$0x1A700]  }
0x240: {  	v23 =	vadd.f32 v23, v25;
	v25 =	vld [tilespmem:s18+$0x0]  }
0x241: {  	v22 =	vadd.f32 v22, v26;
	v27 =	vld [tilespmem:s17+$0x1AB00]  }
0x242: {  	v23 =	vadd.f32 v28, v23;
	v26 =	vld [tilespmem:s18+$0x400]  }
0x243: {  	v21 =	vadd.f32 v21, v22;
	v28 =	vld [tilespmem:s17+$0x1AF00]  }
0x244: {  	v22 =	vadd.f32 v30, v23;
	v23 =	vld [tilespmem:s18+$0x800]  }
0x245: {  	v21 =	vadd.f32 v29, v21;
	v30 =	vld [tilespmem:s17+$0x1B300]  }
0x246: {  	v22 =	vadd.f32 v27, v22;
	v27 =	vld [tilespmem:s18+$0xC00]  }
0x247: {  	v21 =	vadd.f32 v25, v21;
	v29 =	vld [tilespmem:s17+$0x1B700]  }
0x248: {  	v25 =	vmul.f32 $1.442695020e+00, v20;
	v20 =	vadd.f32 $-2.500000000e-01, v20;
	v22 =	vadd.f32 v28, v22;
	v28 =	vld [tilespmem:s18+$0x1000]  }
0x249: {  	v21 =	vadd.f32 v26, v21;
	v31 =	vld [tilespmem:s17+$0x1BB00]  }
0x24a: {  	v22 =	vadd.f32 v30, v22;
	v26 =	vld [tilespmem:s18+$0x1400];
	v30 =	vmul.f32 $1.442695020e+00, v20;
	(erf) = vpow2.f32 v25  }
0x24b: {  	v21 =	vadd.f32 v23, v21;
	v20 =	vadd.f32 $-2.500000000e-01, v20;
	v25 =	vld [tilespmem:s17+$0x1BF00]  }
0x24c: {  	v22 =	vadd.f32 v29, v22;
	v23 =	vld [tilespmem:s18+$0x1800];
	(erf) = vpow2.f32 v30  }
0x24d: {  	v27 =	vadd.f32 v27, v21;
	v29 =	vld [tilespmem:s17+$0x1C300];
	s17 =	smov.u32 s23  }
0x24e: {  	v30 =	vadd.f32 v31, v22;
	v31 =	vld [tilespmem:s18+$0x1C00];
	s18 =	sadd.s32 $0x20, s18  }
0x24f: {  	v27 =	vadd.f32 v28, v27;
	v21 =	vld [tilespmem:s18+$0xFFFFF800]  }
0x250: {  	v22 =	vld [tilespmem:s18+$0xFFFFF400];
	v25 =	vadd.f32 v25, v30  }
0x251: {  	v26 =	vadd.f32 v26, v27;
	v30 =	vld [tilespmem:s18+$0xFFFFDFF0]  }
0x252: {  	v27 =	vld [tilespmem:s18+$0xFFFFE400];
	v25 =	vadd.f32 v29, v25  }
.Ltmp12:
0x253: {  	v26 =	vadd.f32 v23, v26;
	v28 =	vld [tilespmem:s18+$0xFFFFE000];
	v29 =	vpop (erf);
	(pc) =	sbr.rel @p0 .LBB2_26-.Ltmp12, $4  }
0x254: {  	v23 =	vld [tilespmem:s17+$0x19F00];
	v25 =	vmul.f32 v25, v29  }
0x255: {  	v32 =	vadd.f32 v31, v26;
	v29 =	vld [tilespmem:s18+$0xFFFFE800];
	v34 =	vpop (erf)  }
0x256: {  	v31 =	vadd.f32 v33, v30;
	v26 =	vld [tilespmem:s18+$0xFFFFF000];
	[tilespmem:s19+$0xFFFFFFF0] =	vst v25;
	v24 =	vadd.f32 v25, v24  }
0x257: {  	s22 =	sadd.s32 $0x20, s22;
	v25 =	vmul.f32 v32, v34;
	v30 =	vld [tilespmem:s18+$0xFFFFEC00]  }
0x258: {  	v27 =	vadd.f32 v27, v28  }
0x259: {  	v19 =	vadd.f32 v19, v31  }
0x25a: {  	v28 =	vld [tilespmem:s17+$0x19B00];
	v27 =	vadd.f32 v29, v27  }
0x25b: {  	v18 =	vadd.f32 v18, v19  }
0x25c: {  	v19 =	vadd.f32 v30, v27  }
0x25d: {  	v17 =	vadd.f32 v17, v18  }
0x25e: {  	v18 =	vld [tilespmem:s17+$0x1A300];
	v19 =	vadd.f32 v26, v19  }
0x25f: {  	v17 =	vadd.f32 v28, v17;
	v26 =	vld [tilespmem:s18+$0xFFFFFC00]  }
0x260: {  	v27 =	vld [tilespmem:s17+$0x1A700];
	v19 =	vadd.f32 v22, v19  }
0x261: {  	v17 =	vadd.f32 v23, v17;
	v22 =	vld [tilespmem:s18+$0x0]  }
0x262: {  	v23 =	vld [tilespmem:s17+$0x1AB00];
	v19 =	vadd.f32 v21, v19  }
0x263: {  	v17 =	vadd.f32 v18, v17;
	v18 =	vld [tilespmem:s18+$0x400]  }
0x264: {  	v21 =	vld [tilespmem:s17+$0x1AF00];
	v19 =	vadd.f32 v26, v19  }
0x265: {  	v17 =	vadd.f32 v27, v17;
	v26 =	vld [tilespmem:s18+$0x800]  }
0x266: {  	v27 =	vld [tilespmem:s17+$0x1B300];
	v19 =	vadd.f32 v22, v19  }
0x267: {  	v17 =	vadd.f32 v23, v17;
	v22 =	vld [tilespmem:s18+$0xC00]  }
0x268: {  	v28 =	vadd.f32 $-2.500000000e-01, v20;
	v23 =	vld [tilespmem:s17+$0x1B700];
	v18 =	vadd.f32 v18, v19  }
0x269: {  	v17 =	vadd.f32 v21, v17;
	v19 =	vmul.f32 $1.442695020e+00, v20;
	v20 =	vld [tilespmem:s18+$0x1000]  }
0x26a: {  	v28 =	vmul.f32 $1.442695020e+00, v28;
	v21 =	vld [tilespmem:s17+$0x1BB00];
	v18 =	vadd.f32 v26, v18  }
0x26b: {  	v17 =	vadd.f32 v27, v17;
	v26 =	vld [tilespmem:s18+$0x1400];
	(erf) = vpow2.f32 v19  }
0x26c: {  	v19 =	vld [tilespmem:s17+$0x1BF00];
	(erf) = vpow2.f32 v28;
	v18 =	vadd.f32 v22, v18  }
0x26d: {  	v17 =	vadd.f32 v23, v17;
	v22 =	vld [tilespmem:s18+$0x1800]  }
0x26e: {  	v23 =	vld [tilespmem:s17+$0x1C300];
	v18 =	vadd.f32 v20, v18  }
0x26f: {  	v17 =	vadd.f32 v21, v17;
	v20 =	vld [tilespmem:s18+$0x1C00]  }
0x270: {  	v18 =	vadd.f32 v26, v18  }
0x271: {  	v17 =	vadd.f32 v19, v17  }
0x272: {  	v18 =	vadd.f32 v22, v18  }
0x273: {  	v17 =	vadd.f32 v23, v17  }
0x274: {  	v19 =	vpop (erf);
	v18 =	vadd.f32 v20, v18  }
0x275: {  	v20 =	vadd.f32 v25, v24;
	v17 =	vmul.f32 v17, v19;
	v19 =	vpop (erf)  }
0x276: {  	s26 =	sadd.s32 $0x20, s19;
	[tilespmem:s20+$0x0] =	vst v25;
	v18 =	vmul.f32 v18, v19  }
0x277: {  	[tilespmem:s26+$0xFFFFFFF0] =	vst v17;
	v17 =	vadd.f32 v17, v20  }
0x278: {  	s28 =	simm.s32 $0x0;
	[tilespmem:s26+$0x0] =	vst v18  }
0x279: {  	v17 =	vadd.f32 v18, v17;
	v19 =	vld [tilespmem:s28+$0x1C700];
	_ =	sdelay $0x1  }
0x27a: {  	v18 =	vperm.xlane v17, v3;
	_ =	sdelay $0x1  }
0x27b: {  	v17 =	vadd.f32 v18, v17  }
0x27c: {  	(xrf2) =	vadd.scan.msk.f32 $0xffff, v19  }
0x27d: {  	s29 =	simm.s32 $0x10;
	v20 =	vperm.xlane v17, v1  }
0x27e: {  	v18 =	vld [tilespmem:s29+$0x1C700]  }
0x27f: {  	v17 =	vadd.f32 v20, v17;
	_ =	sdelay $0x1  }
0x280: {  	v20 =	vperm.xlane v17, v5;
	_ =	sdelay $0x1  }
0x281: {  	(xrf2) =	vadd.scan.msk.f32 $0xffff, v18;
	v17 =	vadd.f32 v20, v17  }
0x282: {  	s30 =	simm.s32 $0x20  }
0x283: {  	v21 =	vld [tilespmem:s30+$0x1C700];
	v20 =	vperm.xlane v17, v6  }
0x284: {  	v23, _, _ =	vpop (xrf2)  }
0x285: {  	v17 =	vadd.f32 v20, v17;
	v24 =	vsub.f32 v23, v19  }
0x286: {  	v22 =	vimm.f32 $0.0e+00  }
0x287: {  	v20 =	vmul.f32 $9.499999880e-01, v17;
	v17 =	vadd.f32 v24, v22  }
0x288: {  	s31 =	simm.s32 $0x30;
	(xrf2) =	vadd.scan.msk.f32 $0xffff, v21  }
0x289: {  	vm1 =	vle.f32 v17, v20;
	v17 =	vperm.xlane v23, v13;
	v23 =	vld [tilespmem:s31+$0x1C700];
	_ =	sdelay $0x1  }
0x28a: {  	v25, _, _ =	vpop (xrf2)  }
0x28b: {  	v27 =	vsub.f32 v25, v18;
	v26 =	vnsel vm1, $0x0, v19  }
0x28c: {  	s17 =	simm.s32 $0x100;
	v24 =	vadd.f32 v17, v22;
	v19 =	vmul.f32 v26, v16;
	v17 =	vimm.f32 $0.0e+00  }
.LBB2_28:
0x28d: {  	s18 =	sshra.s32 s17, $0x2;
	p0 =	sne.s32 s17, $0xFC0;
	s17 =	sadd.s32 $0x40, s17;
	(xrf2) =	vadd.scan.msk.f32 $0xffff, v23;
	v22 =	vadd.f32 v26, v22;
	v28 =	vmov v23  }
.Ltmp13:
0x28e: {  	v23 =	vld [tilespmem:s18+$0x1C700];
	v26 =	vadd.f32 v27, v24;
	v17 =	vadd.f32 v19, v17;
	(pc) =	sbr.rel @p0 .LBB2_28-.Ltmp13, $4  }
0x28f: {  	_ = 	snop  }
0x290: {  	v16 =	vadd.f32 $-2.500000000e-01, v16;
	v19 =	vperm.xlane v25, v13;
	vm1 =	vle.f32 v26, v20  }
0x291: {  	v25, _, _ =	vpop (xrf2);
	v26 =	vnsel vm1, $0x0, v18;
	v18 =	vmov v21;
	v21 =	vmov v28  }
0x292: {  	v24 =	vadd.f32 v19, v24;
	v27 =	vsub.f32 v25, v18;
	v19 =	vmul.f32 v26, v16  }
0x293: {  	(xrf2) =	vadd.scan.msk.f32 $0xffff, v23;
	_ =	sdelay $0x5  }
0x294: {  	v25 =	vperm.xlane v25, v13  }
0x295: {  	v28, _, _ =	vpop (xrf2)  }
0x296: {  	v25 =	vadd.f32 v25, v24;
	v29 =	vsub.f32 v28, v21  }
0x297: {  	v46 =	vadd.f32 v27, v24;
	v47 =	vperm.xlane v28, v13  }
0x298: {  	v22 =	vadd.f32 v26, v22;
	v48 =	vadd.f32 v29, v25;
	v49, _, _ =	vpop (xrf2)  }
0x299: {  	vm1 =	vle.f32 v46, v20;
	v25 =	vadd.f32 v47, v25;
	v50 =	vsub.f32 v49, v23  }
0x29a: {  	v18 =	vnsel vm1, $0x0, v18  }
0x29b: {  	v22 =	vadd.f32 v18, v22;
	vm1 =	vle.f32 v48, v20;
	v24 =	vadd.f32 v50, v25  }
0x29c: {  	v51 =	vnsel vm1, $0x0, v21  }
0x29d: {  	v22 =	vadd.f32 v51, v22;
	vm1 =	vle.f32 v24, v20  }
0x29e: {  	v20 =	vnsel vm1, $0x0, v23  }
0x29f: {  	v22 =	vadd.f32 v20, v22;
	_ =	sdelay $0x1  }
0x2a0: {  	v52 =	vperm.xlane v22, v3;
	_ =	sdelay $0x1  }
0x2a1: {  	v22 =	vadd.f32 v52, v22;
	_ =	sdelay $0x1  }
0x2a2: {  	v23 =	vperm.xlane v22, v4;
	_ =	sdelay $0x1  }
0x2a3: {  	v22 =	vadd.f32 v23, v22;
	_ =	sdelay $0x1  }
0x2a4: {  	v23 =	vperm.xlane v22, v7;
	_ =	sdelay $0x1  }
0x2a5: {  	v22 =	vadd.f32 v23, v22;
	_ =	sdelay $0x1  }
0x2a6: {  	v23 =	vperm.xlane v22, v8;
	_ =	sdelay $0x1  }
0x2a7: {  	v22 =	vadd.f32 v23, v22;
	_ =	sdelay $0x1  }
0x2a8: {  	v23 =	vshrl.u32 v22, $0x17;
	v53 =	vand.u32 $0x7FFFFF, v22  }
0x2a9: {  	v23 =	vadd.s32 $0xFFFFFF81, v23;
	v24 =	vor.u32 $0x3F800000, v53  }
0x2aa: {  	v23 =	vcvt.s32.f32 v23;
	v24 =	vadd.f32 $-1.000000000e+00, v24;
	_ =	sdelay $0x1  }
0x2ab: {  	v23 =	vmul.f32 $6.931471820e-01, v23;
	v24 =	vmul.f32 $6.931471820e-01, v24;
	_ =	sdelay $0x1  }
0x2ac: {  	v23 =	vadd.f32 v24, v23;
	_ =	sdelay $0x1  }
0x2ad: {  	v24 =	vsub.f32 $0.0e+00, v23;
	_ =	sdelay $0x1  }
0x2ae: {  	v24 =	vmul.f32 $1.442695020e+00, v24;
	_ =	sdelay $0x1  }
0x2af: {  	(erf) = vpow2.f32 v24;
	_ =	sdelay $0x8  }
0x2b0: {  	v24 =	vpop (erf)  }
0x2b1: {  	v24 =	vmul.f32 v24, v22;
	_ =	sdelay $0x1  }
0x2b2: {  	v23 =	vadd.f32 v24, v23;
	_ =	sdelay $0x1  }
0x2b3: {  	v23 =	vadd.f32 $-1.000000000e+00, v23;
	_ =	sdelay $0x1  }
0x2b4: {  	v54 =	vsub.f32 $0.0e+00, v23;
	_ =	sdelay $0x1  }
0x2b5: {  	v24 =	vmul.f32 $1.442695020e+00, v54;
	_ =	sdelay $0x1  }
0x2b6: {  	(erf) = vpow2.f32 v24;
	_ =	sdelay $0x6  }
0x2b7: {  	v16 =	vadd.f32 $-2.500000000e-01, v16;
	_ =	sdelay $0x1  }
0x2b8: {  	v17 =	vadd.f32 v19, v17;
	v18 =	vmul.f32 v18, v16;
	v55 =	vpop (erf)  }
0x2b9: {  	v16 =	vadd.f32 $-2.500000000e-01, v16;
	v19 =	vmul.f32 v55, v22  }
0x2ba: {  	v17 =	vadd.f32 v18, v17  }
0x2bb: {  	v56 =	vmul.f32 v51, v16;
	v16 =	vadd.f32 $-2.500000000e-01, v16;
	v19 =	vadd.f32 v19, v23;
	_ =	sdelay $0x1  }
0x2bc: {  	v17 =	vadd.f32 v56, v17;
	v16 =	vmul.f32 v20, v16;
	v57 =	vadd.f32 $-1.000000000e+00, v19;
	_ =	sdelay $0x1  }
0x2bd: {  	v16 =	vadd.f32 v16, v17;
	v58 =	vsub.f32 $0.0e+00, v57;
	_ =	sdelay $0x1  }
0x2be: {  	v59 =	vperm.xlane v16, v3;
	v17 =	vmul.f32 $1.442695020e+00, v58;
	_ =	sdelay $0x1  }
0x2bf: {  	v16 =	vadd.f32 v59, v16;
	(erf) = vpow2.f32 v17;
	_ =	sdelay $0x1  }
0x2c0: {  	v60 =	vperm.xlane v16, v4;
	_ =	sdelay $0x1  }
0x2c1: {  	v16 =	vadd.f32 v60, v16;
	(erf) = vrcp.f32 v22;
	_ =	sdelay $0x1  }
0x2c2: {  	v17 =	vperm.xlane v16, v7;
	_ =	sdelay $0x1  }
0x2c3: {  	v16 =	vadd.f32 v17, v16  }
0x2c4: {  	v61 =	vpop (erf)  }
0x2c5: {  	v62 =	vperm.xlane v16, v8;
	v17 =	vmul.f32 v61, v22;
	_ =	sdelay $0x1  }
0x2c6: {  	v16 =	vadd.f32 v62, v16;
	v17 =	vadd.f32 v17, v57  }
0x2c7: {  	v63 =	vpop (erf)  }
0x2c8: {  	v16 =	vmul.f32 v16, v63;
	v17 =	vadd.f32 $-1.000000000e+00, v17;
	_ =	sdelay $0x1  }
0x2c9: {  	v16 =	vsub.f32 v16, v17;
	_ =	sdelay $0x1  }
0x2ca: {  	[tilespmem:$0x1CB80] =	vst v16  }
0x2cb: {  	[hbm4b:s7+s1] =	stream.linear.scatter [tilespmem:s14], [sflag:$0x1], $0x80, $0x38;
	[tilespmem:$0x1CC00] =	vst v63  }
0x2cc: {  	_ =	swait.ge [sflag:s12], $0x80  }
0x2cd: {  	s16 =	sadd.s32 $0x1, s16;
	vm1 =	vlt.s32 v14, v15;
	[sflag:s12] =	ssyncset.done $0x0  }
0x2ce: {  	p0 =	sne.s32 s16, s9;
	v14 =	vsel vm1, v14, v15;
	[sflag:s12] =	ssyncadd.s32 $0xFFFFFF80  }
.Ltmp14:
0x2cf: {  	[tilespmem:$0x1CB00] =	vst v14;
	(pc) =	sbr.rel @p0 .LBB2_1-.Ltmp14, $4  }
0x2d0: {  	[hbm4b:s8+s1] =	stream.linear.scatter [tilespmem:s15], [sflag:$0x1], $0x80, $0x38;
	[tilespmem:$0x1CC00] =	vst v63  }
0x2d1: {  	_ =	swait.ge [sflag:s12], $0x80  }
0x2d2: {  	[sflag:s12] =	ssyncset.done $0x0  }
0x2d3: {  	[sflag:s12] =	ssyncadd.s32 $0xFFFFFF80  }
0x2d4: {  	_ =	sfence.sel $0x180000  }
0x2d5: {  	[bflag:$0x0] =	sbarrier.arrive $0xFFFF  }
0x2d6: {  	p0 =	sne.s32 s2, $0x0;
	_ =	strace $0x90000047  }
0x2d7: {  	s0 =	sadd.s32 @!p0 $0x100000, s0;
	[bflag:$0x2] =	sbarrier.arrive $0xFFFF  }
0x2d8: {  	[sflag:s0] =	ssyncadd.tile.s32 @!p0 $0x1;
	_ =	shalt  }
.Lfunc_end2:
_tile_overlayer_lowered:
.L_overlay_start_2:
0x2d9: {  	(tag) =	ssettag $0x2  }
0x2da: {  	s0 =	rddreg [dreg:$0x0];
	s2 =	stileid.u32  }
0x2db: {  	s1 =	rddreg [dreg:$0x1];
	p0 =	sne.s32 s2, $0x0  }
0x2dc: {  	s3 =	rddreg [dreg:$0x2];
	[bflag:$0x3] =	sbarrier.arrive $0xFFFF;
	s2 =	simm.s32 @!p0 $0x1C01  }
0x2dd: {  	[timem:s3], [sflag:s2] =	dma.local @!p0 [hbm:s0], s1  }
0x2de: {  	s0 =	simm.s32 @!p0 $0x1  }
0x2df: {  	_ =	swait.ge @!p0 [sflag:s0], s1  }
0x2e0: {  	s1 =	ssub.s32 @!p0 $0x0, s1;
	[sflag:s0] =	ssyncset.done @!p0 $0x0  }
0x2e1: {  	[sflag:s0] =	ssyncadd.s32 @!p0 s1  }
0x2e2: {  	[bflag:$0x3] =	sbarrier.arrive $0xFFFF  }
0x2e3: {  	_ =	shalt  }

</sc_bundles>
